<compile_context>
chip_gen: v7x
topology: tpu7x:2x2x1
jax: 0.10.2.dev20260603
libtpu: 0.0.44.dev20260713+nightly
codegen_flags: <defaults>
</compile_context>

<pallas_src>
import jax
import jax.numpy as jnp
from jax import lax
from jax.experimental import pallas as pl
from jax.experimental.pallas import tpu as pltpu
from jax.experimental.pallas import tpu_sc as plsc

RB = 1000
K = 80
CH = 25
NSUB = 16
NCORE = 2
HALF = 128


def _tc_prepare(x, w1a, w1b, b1e, w1na, b1n):
    n, d = x.shape

    def body(x_ref, wa_ref, wb_ref, b_ref, wn_ref, bn_ref,
             ah_ref, bh_ref, xn_ref):
        xa = x_ref[...]
        a = jnp.dot(xa, wa_ref[...], preferred_element_type=jnp.float32)
        b = jnp.dot(xa, wb_ref[...], preferred_element_type=jnp.float32) + b_ref[...]
        ah_ref[0] = a[:, :HALF]
        ah_ref[1] = a[:, HALF:]
        bh_ref[0] = b[:, :HALF]
        bh_ref[1] = b[:, HALF:]
        xn_ref[...] = jnp.dot(xa, wn_ref[...],
                              preferred_element_type=jnp.float32) + bn_ref[...]

    return pl.pallas_call(
        body,
        grid=(n // RB,),
        in_specs=[pl.BlockSpec((RB, d), lambda i: (i, 0)),
                  pl.BlockSpec((d, d), lambda i: (0, 0)),
                  pl.BlockSpec((d, d), lambda i: (0, 0)),
                  pl.BlockSpec((1, d), lambda i: (0, 0)),
                  pl.BlockSpec((d, d), lambda i: (0, 0)),
                  pl.BlockSpec((1, d), lambda i: (0, 0))],
        out_specs=[pl.BlockSpec((2, RB, HALF), lambda i: (0, i, 0)),
                   pl.BlockSpec((2, RB, HALF), lambda i: (0, i, 0)),
                   pl.BlockSpec((RB, d), lambda i: (i, 0))],
        out_shape=[jax.ShapeDtypeStruct((2, n, HALF), jnp.float32),
                   jax.ShapeDtypeStruct((2, n, HALF), jnp.float32),
                   jax.ShapeDtypeStruct((n, d), jnp.float32)],
    )(x, w1a, w1b, b1e, w1na, b1n)


def _sc_edge(n, ah, bh, idx):
    nchunk = idx.shape[0] // (NCORE * NSUB)
    rps = (n // NSUB) // 8 * 8
    extra = n - NSUB * rps
    nz, rem = divmod(rps, K)

    mesh = plsc.VectorSubcoreMesh(core_axis_name="c", subcore_axis_name="s",
                                  num_cores=NCORE, num_subcores=NSUB)

    @pl.kernel(
        out_type=jax.ShapeDtypeStruct((2 * n, HALF), jnp.float32),
        mesh=mesh,
        scratch_types=[
            pltpu.VMEM((K, HALF), jnp.float32),
            pltpu.VMEM((K, HALF), jnp.float32),
            pltpu.VMEM((K, HALF), jnp.float32),
            pltpu.VMEM((K, HALF), jnp.float32),
            pltpu.VMEM((CH * 3, 1, K), jnp.int32),
            pltpu.VMEM_SHARED((n, HALF), jnp.float32),
            pltpu.SemaphoreType.DMA,
            pltpu.SemaphoreType.DMA,
            pltpu.SemaphoreType.DMA,
            pltpu.SemaphoreType.DMA,
        ])
    def k(ah_ref, bh_ref, idx_ref, s_out,
          buf_a0, buf_b0, buf_a1, buf_b1, idxc, s_sp,
          sem_a0, sem_b0, sem_a1, sem_b1):
        core = lax.axis_index("c")
        sub = lax.axis_index("s")
        row0 = sub * rps

        zero16 = jnp.zeros((16,), jnp.float32)

        @pl.loop(0, K)
        def _(r):
            @pl.loop(0, HALF, step=16)
            def _(cc):
                buf_a0[r, pl.ds(cc, 16)] = zero16

        for j in range(nz):
            pltpu.sync_copy(buf_a0, s_sp.at[pl.ds(row0 + j * K, K)])
        if rem:
            pltpu.sync_copy(buf_a0.at[pl.ds(0, rem)],
                            s_sp.at[pl.ds(row0 + nz * K, rem)])

        if extra:
            @pl.when(sub == NSUB - 1)
            def _():
                pltpu.sync_copy(buf_a0.at[pl.ds(0, extra)],
                                s_sp.at[pl.ds(NSUB * rps, extra)])

        plsc.subcore_barrier()

        def start(j, buf_a, buf_b, sem_a, sem_b):
            pltpu.async_copy(ah_ref.at[idxc.at[3 * j].at[0]], buf_a, sem_a)
            pltpu.async_copy(bh_ref.at[idxc.at[3 * j + 1].at[0]], buf_b, sem_b)

        def finish(j, buf_a, buf_b, sem_a, sem_b):
            pltpu.make_async_copy(ah_ref.at[idxc.at[3 * j].at[0]],
                                  buf_a, sem_a).wait()
            pltpu.make_async_copy(bh_ref.at[idxc.at[3 * j + 1].at[0]],
                                  buf_b, sem_b).wait()

            @pl.loop(0, K)
            def _(r):
                for cc in range(0, HALF, 16):
                    va = buf_a[r, pl.ds(cc, 16)]
                    vb = buf_b[r, pl.ds(cc, 16)]
                    buf_a[r, pl.ds(cc, 16)] = jnp.maximum(va + vb, 0.0)

            pltpu.sync_copy(buf_a, s_sp.at[idxc.at[3 * j + 2].at[0]],
                            add=True)

        @pl.loop(0, nchunk)
        def _(c):
            cid = (core * NSUB + sub) * nchunk + c
            pltpu.sync_copy(idx_ref.at[cid], idxc)
            start(0, buf_a0, buf_b0, sem_a0, sem_b0)

            @pl.loop(0, CH // 2)
            def _(t):
                j0 = 2 * t
                start(j0 + 1, buf_a1, buf_b1, sem_a1, sem_b1)
                finish(j0, buf_a0, buf_b0, sem_a0, sem_b0)

                if CH % 2:
                    start(j0 + 2, buf_a0, buf_b0, sem_a0, sem_b0)
                else:
                    @pl.when(t < CH // 2 - 1)
                    def _():
                        start(j0 + 2, buf_a0, buf_b0, sem_a0, sem_b0)

                finish(j0 + 1, buf_a1, buf_b1, sem_a1, sem_b1)

            if CH % 2:
                finish(CH - 1, buf_a0, buf_b0, sem_a0, sem_b0)

        plsc.subcore_barrier()

        pltpu.sync_copy(s_sp.at[pl.ds(row0, rps)],
                        s_out.at[pl.ds(core * n + row0, rps)])

        if extra:
            @pl.when(sub == NSUB - 1)
            def _():
                pltpu.sync_copy(
                    s_sp.at[pl.ds(NSUB * rps, extra)],
                    s_out.at[pl.ds(core * n + NSUB * rps, extra)])

    return k(ah, bh, idx)


def _tc_node(s, xn, w2a, w2b, w1nb, w2n, b2n):
    n, d = xn.shape

    def body(s_ref, xn_ref, w2a_ref, w2b_ref,
             w1nb_ref, w2n_ref, b2n_ref, o_ref):
        agg = (jnp.dot(s_ref[0], w2a_ref[...], preferred_element_type=jnp.float32)
               + jnp.dot(s_ref[1], w2b_ref[...], preferred_element_type=jnp.float32))
        h2 = jnp.maximum(
            xn_ref[...] + jnp.dot(agg, w1nb_ref[...],
                                  preferred_element_type=jnp.float32), 0.0)
        o_ref[...] = jnp.dot(h2, w2n_ref[...],
                             preferred_element_type=jnp.float32) + b2n_ref[...]

    return pl.pallas_call(
        body,
        grid=(n // RB,),
        in_specs=[pl.BlockSpec((2, RB, HALF), lambda i: (0, i, 0)),
                  pl.BlockSpec((RB, d), lambda i: (i, 0)),
                  pl.BlockSpec((HALF, d), lambda i: (0, 0)),
                  pl.BlockSpec((HALF, d), lambda i: (0, 0)),
                  pl.BlockSpec((d, d), lambda i: (0, 0)),
                  pl.BlockSpec((d, d), lambda i: (0, 0)),
                  pl.BlockSpec((1, d), lambda i: (0, 0))],
        out_specs=pl.BlockSpec((RB, d), lambda i: (i, 0)),
        out_shape=jax.ShapeDtypeStruct((n, d), jnp.float32),
    )(s, xn, w2a, w2b, w1nb, w2n, b2n)


def kernel(x, edge_index, W1_e, b1_e, W2_e, b2_e, W1_n, b1_n, W2_n, b2_n):
    n, d = x.shape
    e = edge_index.shape[1]
    src = edge_index[0].astype(jnp.int32)
    dst = edge_index[1].astype(jnp.int32)
    nblk = e // (NSUB * K)
    nchunk = nblk // CH
    srcoff = jnp.concatenate([src, src + n]).reshape(NCORE, NSUB, nblk, K)
    dstoff = jnp.concatenate([dst, dst + n]).reshape(NCORE, NSUB, nblk, K)
    dstp = jnp.concatenate([dst, dst]).reshape(NCORE, NSUB, nblk, K)
    idx = jnp.stack([srcoff, dstoff, dstp], axis=3)
    idx = idx.reshape(NCORE * NSUB * nchunk, CH * 3, 1, K)

    ah, bh, xn = _tc_prepare(x, W1_e[:d], W1_e[d:], b1_e.reshape(1, d),
                             W1_n[:d], b1_n.reshape(1, d))
    ah = ah.reshape(2 * n, HALF)
    bh = bh.reshape(2 * n, HALF)
    s = _sc_edge(n, ah, bh, idx)
    s = s.reshape(2, n, HALF)
    del b2_e
    return _tc_node(s, xn, W2_e[:HALF], W2_e[HALF:],
                    W1_n[d:], W2_n, b2_n.reshape(1, d))

# --- scband reference (transcript-rebuilt; emitter-appended) ---
"""Pipeline reference for scband-meta-layer-29137058136338 (READ-ONLY COPY).

The authoritative reference and input builder live on the scoring server;
editing this copy changes nothing except your own understanding.
"""

import jax, jax.numpy as jnp
import numpy as np

N_NODES = 10000
N_EDGES = 160000
D = 256


def setup_inputs(seed: int = 0) -> dict:
    key = jax.random.key(seed)
    ks = jax.random.split(key, 12)
    x = jax.random.normal(ks[0], (N_NODES, D), dtype=jnp.float32)
    edge_index = jax.random.randint(ks[1], (2, N_EDGES), 0, N_NODES, dtype=jnp.int64)
    s = 1.0 / np.sqrt(2 * D)
    s2 = 1.0 / np.sqrt(D)
    W1_e = jax.random.normal(ks[2], (2 * D, D), dtype=jnp.float32) * s
    b1_e = jnp.zeros((D,), dtype=jnp.float32)
    W2_e = jax.random.normal(ks[3], (D, D), dtype=jnp.float32) * s2
    b2_e = jnp.zeros((D,), dtype=jnp.float32)
    W1_n = jax.random.normal(ks[4], (2 * D, D), dtype=jnp.float32) * s
    b1_n = jnp.zeros((D,), dtype=jnp.float32)
    W2_n = jax.random.normal(ks[5], (D, D), dtype=jnp.float32) * s2
    b2_n = jnp.zeros((D,), dtype=jnp.float32)
    return {"x": x, "edge_index": edge_index,
            "W1_e": W1_e, "b1_e": b1_e, "W2_e": W2_e, "b2_e": b2_e,
            "W1_n": W1_n, "b1_n": b1_n, "W2_n": W2_n, "b2_n": b2_n}


def reference(x, edge_index, W1_e, b1_e, W2_e, b2_e, W1_n, b1_n, W2_n, b2_n):
    src = edge_index[0]
    dst = edge_index[1]
    # edge_model: MLP over concatenated endpoint features -> per-edge message
    x_src = jnp.take(x, src, axis=0)
    x_dst = jnp.take(x, dst, axis=0)
    e_in = jnp.concatenate([x_src, x_dst], axis=-1)
    h = jax.nn.relu(e_in @ W1_e + b1_e)
    message = h @ W2_e + b2_e  # [E, D]
    # node_model: scatter-add messages to destination nodes, concat with x, MLP
    agg = jax.ops.segment_sum(message, dst, num_segments=x.shape[0])  # [N, D]
    n_in = jnp.concatenate([x, agg], axis=-1)
    h2 = jax.nn.relu(n_in @ W1_n + b1_n)
    out = h2 @ W2_n + b2_n  # [N, D]
    return out

if __name__ == "__main__":
    import jax
    _d = setup_inputs()
    print(jax.jit(kernel)(*tuple(_d.values())))

</pallas_src>

<mosaic_0001>
#map = affine_map<(d0, d1) -> (0, 0)>
#map1 = affine_map<(d0, d1) -> (0, 0, 0, 0)>
module attributes {stable_mosaic.version = 14 : i64} {
  func.func @k(%arg0: i32, %arg1: i32, %arg2: memref<20000x128xf32, #tpu.memory_space<hbm>>, %arg3: memref<20000x128xf32, #tpu.memory_space<hbm>>, %arg4: memref<160x75x1x80xi32, #tpu.memory_space<hbm>>, %arg5: memref<20000x128xf32, #tpu.memory_space<hbm>>, %arg6: memref<80x128xf32, #tpu.memory_space<vmem>>, %arg7: memref<80x128xf32, #tpu.memory_space<vmem>>, %arg8: memref<80x128xf32, #tpu.memory_space<vmem>>, %arg9: memref<80x128xf32, #tpu.memory_space<vmem>>, %arg10: memref<75x1x80xi32, #tpu.memory_space<vmem>>, %arg11: memref<10000x128xf32, #tpu.memory_space<vmem_shared>>, %arg12: memref<!tpu.dma_semaphore, #tpu.memory_space<semaphore_mem>>, %arg13: memref<!tpu.dma_semaphore, #tpu.memory_space<semaphore_mem>>, %arg14: memref<!tpu.dma_semaphore, #tpu.memory_space<semaphore_mem>>, %arg15: memref<!tpu.dma_semaphore, #tpu.memory_space<semaphore_mem>>) attributes {dimension_semantics = [#tpu.dimension_semantics<core_parallel>, #tpu.dimension_semantics<subcore_parallel>], iteration_bounds = array<i64: 2, 16>, scalar_prefetch = 0 : i64, scratch_operands = 10 : i64, tpu.core_type = #tpu.core_type<sc_vector_subcore>, window_params = [{transform_indices = #map}, {transform_indices = #map}, {transform_indices = #map1}, {transform_indices = #map}]} {
    %mul3A = arith.constant 624 : i32
    %mul3A_0 = arith.muli %arg1, %mul3A : i32
    %broadcast_in_dim3A = arith.constant 0.000000e+00 : f32
    %broadcast_in_dim3A_1 = vector.broadcast %broadcast_in_dim3A : f32 to vector<16xf32>
    %scan3A = arith.constant 0 : i32
    %scan3A_2 = arith.constant 80 : i32
    %scan3A_3 = arith.addi %scan3A, %scan3A_2 : i32
    %scan3A_4 = arith.constant 1 : i32
    scf.for %scan3A_37 = %scan3A to %scan3A_3 step %scan3A_4  : i32 {
      %mul3A_38 = arith.constant 1 : i32
      %mul3A_39 = arith.muli %scan3A_37, %mul3A_38 : i32
      %add3A_40 = arith.constant 0 : i32
      %add3A_41 = arith.addi %add3A_40, %mul3A_39 : i32
      %scan3A_42 = arith.constant 0 : i32
      %scan3A_43 = arith.constant 8 : i32
      %scan3A_44 = arith.addi %scan3A_42, %scan3A_43 : i32
      %scan3A_45 = arith.constant 1 : i32
      scf.for %scan3A_47 = %scan3A_42 to %scan3A_44 step %scan3A_45  : i32 {
        %mul3A_48 = arith.constant 16 : i32
        %mul3A_49 = arith.muli %scan3A_47, %mul3A_48 : i32
        %add3A_50 = arith.constant 0 : i32
        %add3A_51 = arith.addi %add3A_50, %mul3A_49 : i32
        %swap3A = arith.index_cast %add3A_41 : i32 to index
        %swap3A_52 = arith.index_cast %add3A_51 : i32 to index
        %swap3A_53 = tpu.vector_load %arg6[%swap3A, %swap3A_52] {strides = array<i32>} : memref<80x128xf32, #tpu.memory_space<vmem>>, vector<1x16xf32>,
        %swap3A_54 = vector.shape_cast %swap3A_53 : vector<1x16xf32> to vector<16xf32>
        %swap3A_55 = vector.shape_cast %broadcast_in_dim3A_1 : vector<16xf32> to vector<1x16xf32>
        tpu.vector_store %arg6[%swap3A, %swap3A_52], %swap3A_55 {strides = array<i32>} : memref<80x128xf32, #tpu.memory_space<vmem>>, vector<1x16xf32>,
      }
      %scan3A_46 = arith.constant 8 : i32
    }
    %scan3A_5 = arith.constant 80 : i32
    %add3A = arith.constant 0 : i32
    %add3A_6 = arith.addi %mul3A_0, %add3A : i32
    "tpu.region"() ({
      %run_scoped3A = tpu.sem_alloc : memref<!tpu.dma_semaphore, #tpu.memory_space<semaphore_mem>>
      %dma_start3A = arith.constant 0 : i32
      %dma_start3A_37 = tpu.memref_slice %arg11[%add3A_6, %dma_start3A] : memref<10000x128xf32, #tpu.memory_space<vmem_shared>> -> memref<80x128xf32, #tpu.memory_space<vmem_shared>>
      %dma_start3A_38 = arith.constant 0 : i32
      %dma_start3A_39 = tpu.memref_slice %arg11[%add3A_6, %dma_start3A_38] : memref<10000x128xf32, #tpu.memory_space<vmem_shared>> -> memref<80x128xf32, #tpu.memory_space<vmem_shared>>
      tpu.enqueue_dma source(%arg6 : memref<80x128xf32, #tpu.memory_space<vmem>>) target(%dma_start3A_39 : memref<80x128xf32, #tpu.memory_space<vmem_shared>>) target_semaphore(%run_scoped3A : memref<!tpu.dma_semaphore, #tpu.memory_space<semaphore_mem>>)
      %dma_wait3A = arith.constant 0 : i32
      %dma_wait3A_40 = tpu.memref_slice %arg11[%add3A_6, %dma_wait3A] : memref<10000x128xf32, #tpu.memory_space<vmem_shared>> -> memref<80x128xf32, #tpu.memory_space<vmem_shared>>
      %dma_wait3A_41 = arith.constant 0 : i32
      %dma_wait3A_42 = tpu.memref_slice %arg11[%add3A_6, %dma_wait3A_41] : memref<10000x128xf32, #tpu.memory_space<vmem_shared>> -> memref<80x128xf32, #tpu.memory_space<vmem_shared>>
      tpu.wait_dma2 semaphore(%run_scoped3A : memref<!tpu.dma_semaphore, #tpu.memory_space<semaphore_mem>>) src(%arg6 : memref<80x128xf32, #tpu.memory_space<vmem>>) dst(%dma_wait3A_42 : memref<80x128xf32, #tpu.memory_space<vmem_shared>>)
      tpu.yield
    }) : () -> ()
    %add3A_7 = arith.constant 80 : i32
    %add3A_8 = arith.addi %mul3A_0, %add3A_7 : i32
    "tpu.region"() ({
      %run_scoped3A = tpu.sem_alloc : memref<!tpu.dma_semaphore, #tpu.memory_space<semaphore_mem>>
      %dma_start3A = arith.constant 0 : i32
      %dma_start3A_37 = tpu.memref_slice %arg11[%add3A_8, %dma_start3A] : memref<10000x128xf32, #tpu.memory_space<vmem_shared>> -> memref<80x128xf32, #tpu.memory_space<vmem_shared>>
      %dma_start3A_38 = arith.constant 0 : i32
      %dma_start3A_39 = tpu.memref_slice %arg11[%add3A_8, %dma_start3A_38] : memref<10000x128xf32, #tpu.memory_space<vmem_shared>> -> memref<80x128xf32, #tpu.memory_space<vmem_shared>>
      tpu.enqueue_dma source(%arg6 : memref<80x128xf32, #tpu.memory_space<vmem>>) target(%dma_start3A_39 : memref<80x128xf32, #tpu.memory_space<vmem_shared>>) target_semaphore(%run_scoped3A : memref<!tpu.dma_semaphore, #tpu.memory_space<semaphore_mem>>)
      %dma_wait3A = arith.constant 0 : i32
      %dma_wait3A_40 = tpu.memref_slice %arg11[%add3A_8, %dma_wait3A] : memref<10000x128xf32, #tpu.memory_space<vmem_shared>> -> memref<80x128xf32, #tpu.memory_space<vmem_shared>>
      %dma_wait3A_41 = arith.constant 0 : i32
      %dma_wait3A_42 = tpu.memref_slice %arg11[%add3A_8, %dma_wait3A_41] : memref<10000x128xf32, #tpu.memory_space<vmem_shared>> -> memref<80x128xf32, #tpu.memory_space<vmem_shared>>
      tpu.wait_dma2 semaphore(%run_scoped3A : memref<!tpu.dma_semaphore, #tpu.memory_space<semaphore_mem>>) src(%arg6 : memref<80x128xf32, #tpu.memory_space<vmem>>) dst(%dma_wait3A_42 : memref<80x128xf32, #tpu.memory_space<vmem_shared>>)
      tpu.yield
    }) : () -> ()
    %add3A_9 = arith.constant 160 : i32
    %add3A_10 = arith.addi %mul3A_0, %add3A_9 : i32
    "tpu.region"() ({
      %run_scoped3A = tpu.sem_alloc : memref<!tpu.dma_semaphore, #tpu.memory_space<semaphore_mem>>
      %dma_start3A = arith.constant 0 : i32
      %dma_start3A_37 = tpu.memref_slice %arg11[%add3A_10, %dma_start3A] : memref<10000x128xf32, #tpu.memory_space<vmem_shared>> -> memref<80x128xf32, #tpu.memory_space<vmem_shared>>
      %dma_start3A_38 = arith.constant 0 : i32
      %dma_start3A_39 = tpu.memref_slice %arg11[%add3A_10, %dma_start3A_38] : memref<10000x128xf32, #tpu.memory_space<vmem_shared>> -> memref<80x128xf32, #tpu.memory_space<vmem_shared>>
      tpu.enqueue_dma source(%arg6 : memref<80x128xf32, #tpu.memory_space<vmem>>) target(%dma_start3A_39 : memref<80x128xf32, #tpu.memory_space<vmem_shared>>) target_semaphore(%run_scoped3A : memref<!tpu.dma_semaphore, #tpu.memory_space<semaphore_mem>>)
      %dma_wait3A = arith.constant 0 : i32
      %dma_wait3A_40 = tpu.memref_slice %arg11[%add3A_10, %dma_wait3A] : memref<10000x128xf32, #tpu.memory_space<vmem_shared>> -> memref<80x128xf32, #tpu.memory_space<vmem_shared>>
      %dma_wait3A_41 = arith.constant 0 : i32
      %dma_wait3A_42 = tpu.memref_slice %arg11[%add3A_10, %dma_wait3A_41] : memref<10000x128xf32, #tpu.memory_space<vmem_shared>> -> memref<80x128xf32, #tpu.memory_space<vmem_shared>>
      tpu.wait_dma2 semaphore(%run_scoped3A : memref<!tpu.dma_semaphore, #tpu.memory_space<semaphore_mem>>) src(%arg6 : memref<80x128xf32, #tpu.memory_space<vmem>>) dst(%dma_wait3A_42 : memref<80x128xf32, #tpu.memory_space<vmem_shared>>)
      tpu.yield
    }) : () -> ()
    %add3A_11 = arith.constant 240 : i32
    %add3A_12 = arith.addi %mul3A_0, %add3A_11 : i32
    "tpu.region"() ({
      %run_scoped3A = tpu.sem_alloc : memref<!tpu.dma_semaphore, #tpu.memory_space<semaphore_mem>>
      %dma_start3A = arith.constant 0 : i32
      %dma_start3A_37 = tpu.memref_slice %arg11[%add3A_12, %dma_start3A] : memref<10000x128xf32, #tpu.memory_space<vmem_shared>> -> memref<80x128xf32, #tpu.memory_space<vmem_shared>>
      %dma_start3A_38 = arith.constant 0 : i32
      %dma_start3A_39 = tpu.memref_slice %arg11[%add3A_12, %dma_start3A_38] : memref<10000x128xf32, #tpu.memory_space<vmem_shared>> -> memref<80x128xf32, #tpu.memory_space<vmem_shared>>
      tpu.enqueue_dma source(%arg6 : memref<80x128xf32, #tpu.memory_space<vmem>>) target(%dma_start3A_39 : memref<80x128xf32, #tpu.memory_space<vmem_shared>>) target_semaphore(%run_scoped3A : memref<!tpu.dma_semaphore, #tpu.memory_space<semaphore_mem>>)
      %dma_wait3A = arith.constant 0 : i32
      %dma_wait3A_40 = tpu.memref_slice %arg11[%add3A_12, %dma_wait3A] : memref<10000x128xf32, #tpu.memory_space<vmem_shared>> -> memref<80x128xf32, #tpu.memory_space<vmem_shared>>
      %dma_wait3A_41 = arith.constant 0 : i32
      %dma_wait3A_42 = tpu.memref_slice %arg11[%add3A_12, %dma_wait3A_41] : memref<10000x128xf32, #tpu.memory_space<vmem_shared>> -> memref<80x128xf32, #tpu.memory_space<vmem_shared>>
      tpu.wait_dma2 semaphore(%run_scoped3A : memref<!tpu.dma_semaphore, #tpu.memory_space<semaphore_mem>>) src(%arg6 : memref<80x128xf32, #tpu.memory_space<vmem>>) dst(%dma_wait3A_42 : memref<80x128xf32, #tpu.memory_space<vmem_shared>>)
      tpu.yield
    }) : () -> ()
    %add3A_13 = arith.constant 320 : i32
    %add3A_14 = arith.addi %mul3A_0, %add3A_13 : i32
    "tpu.region"() ({
      %run_scoped3A = tpu.sem_alloc : memref<!tpu.dma_semaphore, #tpu.memory_space<semaphore_mem>>
      %dma_start3A = arith.constant 0 : i32
      %dma_start3A_37 = tpu.memref_slice %arg11[%add3A_14, %dma_start3A] : memref<10000x128xf32, #tpu.memory_space<vmem_shared>> -> memref<80x128xf32, #tpu.memory_space<vmem_shared>>
      %dma_start3A_38 = arith.constant 0 : i32
      %dma_start3A_39 = tpu.memref_slice %arg11[%add3A_14, %dma_start3A_38] : memref<10000x128xf32, #tpu.memory_space<vmem_shared>> -> memref<80x128xf32, #tpu.memory_space<vmem_shared>>
      tpu.enqueue_dma source(%arg6 : memref<80x128xf32, #tpu.memory_space<vmem>>) target(%dma_start3A_39 : memref<80x128xf32, #tpu.memory_space<vmem_shared>>) target_semaphore(%run_scoped3A : memref<!tpu.dma_semaphore, #tpu.memory_space<semaphore_mem>>)
      %dma_wait3A = arith.constant 0 : i32
      %dma_wait3A_40 = tpu.memref_slice %arg11[%add3A_14, %dma_wait3A] : memref<10000x128xf32, #tpu.memory_space<vmem_shared>> -> memref<80x128xf32, #tpu.memory_space<vmem_shared>>
      %dma_wait3A_41 = arith.constant 0 : i32
      %dma_wait3A_42 = tpu.memref_slice %arg11[%add3A_14, %dma_wait3A_41] : memref<10000x128xf32, #tpu.memory_space<vmem_shared>> -> memref<80x128xf32, #tpu.memory_space<vmem_shared>>
      tpu.wait_dma2 semaphore(%run_scoped3A : memref<!tpu.dma_semaphore, #tpu.memory_space<semaphore_mem>>) src(%arg6 : memref<80x128xf32, #tpu.memory_space<vmem>>) dst(%dma_wait3A_42 : memref<80x128xf32, #tpu.memory_space<vmem_shared>>)
      tpu.yield
    }) : () -> ()
    %add3A_15 = arith.constant 400 : i32
    %add3A_16 = arith.addi %mul3A_0, %add3A_15 : i32
    "tpu.region"() ({
      %run_scoped3A = tpu.sem_alloc : memref<!tpu.dma_semaphore, #tpu.memory_space<semaphore_mem>>
      %dma_start3A = arith.constant 0 : i32
      %dma_start3A_37 = tpu.memref_slice %arg11[%add3A_16, %dma_start3A] : memref<10000x128xf32, #tpu.memory_space<vmem_shared>> -> memref<80x128xf32, #tpu.memory_space<vmem_shared>>
      %dma_start3A_38 = arith.constant 0 : i32
      %dma_start3A_39 = tpu.memref_slice %arg11[%add3A_16, %dma_start3A_38] : memref<10000x128xf32, #tpu.memory_space<vmem_shared>> -> memref<80x128xf32, #tpu.memory_space<vmem_shared>>
      tpu.enqueue_dma source(%arg6 : memref<80x128xf32, #tpu.memory_space<vmem>>) target(%dma_start3A_39 : memref<80x128xf32, #tpu.memory_space<vmem_shared>>) target_semaphore(%run_scoped3A : memref<!tpu.dma_semaphore, #tpu.memory_space<semaphore_mem>>)
      %dma_wait3A = arith.constant 0 : i32
      %dma_wait3A_40 = tpu.memref_slice %arg11[%add3A_16, %dma_wait3A] : memref<10000x128xf32, #tpu.memory_space<vmem_shared>> -> memref<80x128xf32, #tpu.memory_space<vmem_shared>>
      %dma_wait3A_41 = arith.constant 0 : i32
      %dma_wait3A_42 = tpu.memref_slice %arg11[%add3A_16, %dma_wait3A_41] : memref<10000x128xf32, #tpu.memory_space<vmem_shared>> -> memref<80x128xf32, #tpu.memory_space<vmem_shared>>
      tpu.wait_dma2 semaphore(%run_scoped3A : memref<!tpu.dma_semaphore, #tpu.memory_space<semaphore_mem>>) src(%arg6 : memref<80x128xf32, #tpu.memory_space<vmem>>) dst(%dma_wait3A_42 : memref<80x128xf32, #tpu.memory_space<vmem_shared>>)
      tpu.yield
    }) : () -> ()
    %add3A_17 = arith.constant 480 : i32
    %add3A_18 = arith.addi %mul3A_0, %add3A_17 : i32
    "tpu.region"() ({
      %run_scoped3A = tpu.sem_alloc : memref<!tpu.dma_semaphore, #tpu.memory_space<semaphore_mem>>
      %dma_start3A = arith.constant 0 : i32
      %dma_start3A_37 = tpu.memref_slice %arg11[%add3A_18, %dma_start3A] : memref<10000x128xf32, #tpu.memory_space<vmem_shared>> -> memref<80x128xf32, #tpu.memory_space<vmem_shared>>
      %dma_start3A_38 = arith.constant 0 : i32
      %dma_start3A_39 = tpu.memref_slice %arg11[%add3A_18, %dma_start3A_38] : memref<10000x128xf32, #tpu.memory_space<vmem_shared>> -> memref<80x128xf32, #tpu.memory_space<vmem_shared>>
      tpu.enqueue_dma source(%arg6 : memref<80x128xf32, #tpu.memory_space<vmem>>) target(%dma_start3A_39 : memref<80x128xf32, #tpu.memory_space<vmem_shared>>) target_semaphore(%run_scoped3A : memref<!tpu.dma_semaphore, #tpu.memory_space<semaphore_mem>>)
      %dma_wait3A = arith.constant 0 : i32
      %dma_wait3A_40 = tpu.memref_slice %arg11[%add3A_18, %dma_wait3A] : memref<10000x128xf32, #tpu.memory_space<vmem_shared>> -> memref<80x128xf32, #tpu.memory_space<vmem_shared>>
      %dma_wait3A_41 = arith.constant 0 : i32
      %dma_wait3A_42 = tpu.memref_slice %arg11[%add3A_18, %dma_wait3A_41] : memref<10000x128xf32, #tpu.memory_space<vmem_shared>> -> memref<80x128xf32, #tpu.memory_space<vmem_shared>>
      tpu.wait_dma2 semaphore(%run_scoped3A : memref<!tpu.dma_semaphore, #tpu.memory_space<semaphore_mem>>) src(%arg6 : memref<80x128xf32, #tpu.memory_space<vmem>>) dst(%dma_wait3A_42 : memref<80x128xf32, #tpu.memory_space<vmem_shared>>)
      tpu.yield
    }) : () -> ()
    %add3A_19 = arith.constant 560 : i32
    %add3A_20 = arith.addi %mul3A_0, %add3A_19 : i32
    "tpu.region"() ({
      %run_scoped3A = tpu.sem_alloc : memref<!tpu.dma_semaphore, #tpu.memory_space<semaphore_mem>>
      %dma_start3A = arith.constant 0 : i32
      %dma_start3A_37 = arith.constant 0 : i32
      %dma_start3A_38 = tpu.memref_slice %arg6[%dma_start3A, %dma_start3A_37] : memref<80x128xf32, #tpu.memory_space<vmem>> -> memref<64x128xf32, #tpu.memory_space<vmem>>
      %dma_start3A_39 = arith.constant 0 : i32
      %dma_start3A_40 = tpu.memref_slice %arg11[%add3A_20, %dma_start3A_39] : memref<10000x128xf32, #tpu.memory_space<vmem_shared>> -> memref<64x128xf32, #tpu.memory_space<vmem_shared>>
      %dma_start3A_41 = arith.constant 0 : i32
      %dma_start3A_42 = tpu.memref_slice %arg11[%add3A_20, %dma_start3A_41] : memref<10000x128xf32, #tpu.memory_space<vmem_shared>> -> memref<64x128xf32, #tpu.memory_space<vmem_shared>>
      %dma_start3A_43 = arith.constant 0 : i32
      %dma_start3A_44 = arith.constant 0 : i32
      %dma_start3A_45 = tpu.memref_slice %arg6[%dma_start3A_43, %dma_start3A_44] : memref<80x128xf32, #tpu.memory_space<vmem>> -> memref<64x128xf32, #tpu.memory_space<vmem>>
      tpu.enqueue_dma source(%dma_start3A_45 : memref<64x128xf32, #tpu.memory_space<vmem>>) target(%dma_start3A_42 : memref<64x128xf32, #tpu.memory_space<vmem_shared>>) target_semaphore(%run_scoped3A : memref<!tpu.dma_semaphore, #tpu.memory_space<semaphore_mem>>)
      %dma_wait3A = arith.constant 0 : i32
      %dma_wait3A_46 = arith.constant 0 : i32
      %dma_wait3A_47 = tpu.memref_slice %arg6[%dma_wait3A, %dma_wait3A_46] : memref<80x128xf32, #tpu.memory_space<vmem>> -> memref<64x128xf32, #tpu.memory_space<vmem>>
      %dma_wait3A_48 = arith.constant 0 : i32
      %dma_wait3A_49 = tpu.memref_slice %arg11[%add3A_20, %dma_wait3A_48] : memref<10000x128xf32, #tpu.memory_space<vmem_shared>> -> memref<64x128xf32, #tpu.memory_space<vmem_shared>>
      %dma_wait3A_50 = arith.constant 0 : i32
      %dma_wait3A_51 = tpu.memref_slice %arg11[%add3A_20, %dma_wait3A_50] : memref<10000x128xf32, #tpu.memory_space<vmem_shared>> -> memref<64x128xf32, #tpu.memory_space<vmem_shared>>
      %dma_wait3A_52 = arith.constant 0 : i32
      %dma_wait3A_53 = arith.constant 0 : i32
      %dma_wait3A_54 = tpu.memref_slice %arg6[%dma_wait3A_52, %dma_wait3A_53] : memref<80x128xf32, #tpu.memory_space<vmem>> -> memref<64x128xf32, #tpu.memory_space<vmem>>
      tpu.wait_dma2 semaphore(%run_scoped3A : memref<!tpu.dma_semaphore, #tpu.memory_space<semaphore_mem>>) src(%dma_wait3A_54 : memref<64x128xf32, #tpu.memory_space<vmem>>) dst(%dma_wait3A_51 : memref<64x128xf32, #tpu.memory_space<vmem_shared>>)
      tpu.yield
    }) : () -> ()
    %eq3A = arith.constant 15 : i32
    %eq3A_21 = arith.cmpi eq, %arg1, %eq3A : i32
    %convert_element_type3A = arith.extui %eq3A_21 : i1 to i32
    %cond3A = arith.constant 0 : i32
    %cond3A_22 = arith.cmpi ne, %convert_element_type3A, %cond3A : i32
    scf.if %cond3A_22 {
      "tpu.region"() ({
        %run_scoped3A = tpu.sem_alloc : memref<!tpu.dma_semaphore, #tpu.memory_space<semaphore_mem>>
        %dma_start3A = arith.constant 0 : i32
        %dma_start3A_37 = arith.constant 0 : i32
        %dma_start3A_38 = tpu.memref_slice %arg6[%dma_start3A, %dma_start3A_37] : memref<80x128xf32, #tpu.memory_space<vmem>> -> memref<16x128xf32, #tpu.memory_space<vmem>>
        %dma_start3A_39 = arith.constant 9984 : i32
        %dma_start3A_40 = arith.constant 0 : i32
        %dma_start3A_41 = tpu.memref_slice %arg11[%dma_start3A_39, %dma_start3A_40] : memref<10000x128xf32, #tpu.memory_space<vmem_shared>> -> memref<16x128xf32, #tpu.memory_space<vmem_shared>>
        %dma_start3A_42 = arith.constant 9984 : i32
        %dma_start3A_43 = arith.constant 0 : i32
        %dma_start3A_44 = tpu.memref_slice %arg11[%dma_start3A_42, %dma_start3A_43] : memref<10000x128xf32, #tpu.memory_space<vmem_shared>> -> memref<16x128xf32, #tpu.memory_space<vmem_shared>>
        %dma_start3A_45 = arith.constant 0 : i32
        %dma_start3A_46 = arith.constant 0 : i32
        %dma_start3A_47 = tpu.memref_slice %arg6[%dma_start3A_45, %dma_start3A_46] : memref<80x128xf32, #tpu.memory_space<vmem>> -> memref<16x128xf32, #tpu.memory_space<vmem>>
        tpu.enqueue_dma source(%dma_start3A_47 : memref<16x128xf32, #tpu.memory_space<vmem>>) target(%dma_start3A_44 : memref<16x128xf32, #tpu.memory_space<vmem_shared>>) target_semaphore(%run_scoped3A : memref<!tpu.dma_semaphore, #tpu.memory_space<semaphore_mem>>)
        %dma_wait3A = arith.constant 0 : i32
        %dma_wait3A_48 = arith.constant 0 : i32
        %dma_wait3A_49 = tpu.memref_slice %arg6[%dma_wait3A, %dma_wait3A_48] : memref<80x128xf32, #tpu.memory_space<vmem>> -> memref<16x128xf32, #tpu.memory_space<vmem>>
        %dma_wait3A_50 = arith.constant 9984 : i32
        %dma_wait3A_51 = arith.constant 0 : i32
        %dma_wait3A_52 = tpu.memref_slice %arg11[%dma_wait3A_50, %dma_wait3A_51] : memref<10000x128xf32, #tpu.memory_space<vmem_shared>> -> memref<16x128xf32, #tpu.memory_space<vmem_shared>>
        %dma_wait3A_53 = arith.constant 9984 : i32
        %dma_wait3A_54 = arith.constant 0 : i32
        %dma_wait3A_55 = tpu.memref_slice %arg11[%dma_wait3A_53, %dma_wait3A_54] : memref<10000x128xf32, #tpu.memory_space<vmem_shared>> -> memref<16x128xf32, #tpu.memory_space<vmem_shared>>
        %dma_wait3A_56 = arith.constant 0 : i32
        %dma_wait3A_57 = arith.constant 0 : i32
        %dma_wait3A_58 = tpu.memref_slice %arg6[%dma_wait3A_56, %dma_wait3A_57] : memref<80x128xf32, #tpu.memory_space<vmem>> -> memref<16x128xf32, #tpu.memory_space<vmem>>
        tpu.wait_dma2 semaphore(%run_scoped3A : memref<!tpu.dma_semaphore, #tpu.memory_space<semaphore_mem>>) src(%dma_wait3A_58 : memref<16x128xf32, #tpu.memory_space<vmem>>) dst(%dma_wait3A_55 : memref<16x128xf32, #tpu.memory_space<vmem_shared>>)
        tpu.yield
      }) : () -> ()
    } else {
    }
    %barrier3A = arith.constant 0 : index
    tpu.barrier barrier_id(%barrier3A)
    %scan3A_23 = arith.constant 0 : i32
    %scan3A_24 = arith.constant 5 : i32
    %scan3A_25 = arith.addi %scan3A_23, %scan3A_24 : i32
    %scan3A_26 = arith.constant 1 : i32
    scf.for %scan3A_37 = %scan3A_23 to %scan3A_25 step %scan3A_26  : i32 {
      %mul3A_38 = arith.constant 1 : i32
      %mul3A_39 = arith.muli %scan3A_37, %mul3A_38 : i32
      %add3A_40 = arith.constant 0 : i32
      %add3A_41 = arith.addi %add3A_40, %mul3A_39 : i32
      %mul3A_42 = arith.constant 16 : i32
      %mul3A_43 = arith.muli %arg0, %mul3A_42 : i32
      %add3A_44 = arith.addi %mul3A_43, %arg1 : i32
      %mul3A_45 = arith.constant 5 : i32
      %mul3A_46 = arith.muli %add3A_44, %mul3A_45 : i32
      %add3A_47 = arith.addi %mul3A_46, %add3A_41 : i32
      "tpu.region"() ({
        %run_scoped3A_105 = tpu.sem_alloc : memref<!tpu.dma_semaphore, #tpu.memory_space<semaphore_mem>>
        %dma_start3A_106 = arith.constant 0 : i32
        %dma_start3A_107 = arith.constant 0 : i32
        %dma_start3A_108 = arith.constant 0 : i32
        %dma_start3A_109 = tpu.memref_slice %arg4[%add3A_47, %dma_start3A_106, %dma_start3A_107, %dma_start3A_108] : memref<160x75x1x80xi32, #tpu.memory_space<hbm>> -> memref<1x75x1x80xi32, #tpu.memory_space<hbm>>
        %dma_start3A_110 = tpu.memref_squeeze %dma_start3A_109 : memref<1x75x1x80xi32, #tpu.memory_space<hbm>> -> memref<75x1x80xi32, #tpu.memory_space<hbm>>
        %dma_start3A_111 = arith.constant 0 : i32
        %dma_start3A_112 = arith.constant 0 : i32
        %dma_start3A_113 = arith.constant 0 : i32
        %dma_start3A_114 = tpu.memref_slice %arg4[%add3A_47, %dma_start3A_111, %dma_start3A_112, %dma_start3A_113] : memref<160x75x1x80xi32, #tpu.memory_space<hbm>> -> memref<1x75x1x80xi32, #tpu.memory_space<hbm>>
        %dma_start3A_115 = tpu.memref_squeeze %dma_start3A_114 : memref<1x75x1x80xi32, #tpu.memory_space<hbm>> -> memref<75x1x80xi32, #tpu.memory_space<hbm>>
        tpu.enqueue_dma source(%dma_start3A_115 : memref<75x1x80xi32, #tpu.memory_space<hbm>>) target(%arg10 : memref<75x1x80xi32, #tpu.memory_space<vmem>>) target_semaphore(%run_scoped3A_105 : memref<!tpu.dma_semaphore, #tpu.memory_space<semaphore_mem>>)
        %dma_wait3A_116 = arith.constant 0 : i32
        %dma_wait3A_117 = arith.constant 0 : i32
        %dma_wait3A_118 = arith.constant 0 : i32
        %dma_wait3A_119 = tpu.memref_slice %arg4[%add3A_47, %dma_wait3A_116, %dma_wait3A_117, %dma_wait3A_118] : memref<160x75x1x80xi32, #tpu.memory_space<hbm>> -> memref<1x75x1x80xi32, #tpu.memory_space<hbm>>
        %dma_wait3A_120 = tpu.memref_squeeze %dma_wait3A_119 : memref<1x75x1x80xi32, #tpu.memory_space<hbm>> -> memref<75x1x80xi32, #tpu.memory_space<hbm>>
        %dma_wait3A_121 = arith.constant 0 : i32
        %dma_wait3A_122 = arith.constant 0 : i32
        %dma_wait3A_123 = arith.constant 0 : i32
        %dma_wait3A_124 = tpu.memref_slice %arg4[%add3A_47, %dma_wait3A_121, %dma_wait3A_122, %dma_wait3A_123] : memref<160x75x1x80xi32, #tpu.memory_space<hbm>> -> memref<1x75x1x80xi32, #tpu.memory_space<hbm>>
        %dma_wait3A_125 = tpu.memref_squeeze %dma_wait3A_124 : memref<1x75x1x80xi32, #tpu.memory_space<hbm>> -> memref<75x1x80xi32, #tpu.memory_space<hbm>>
        tpu.wait_dma2 semaphore(%run_scoped3A_105 : memref<!tpu.dma_semaphore, #tpu.memory_space<semaphore_mem>>) src(%dma_wait3A_125 : memref<75x1x80xi32, #tpu.memory_space<hbm>>) dst(%arg10 : memref<75x1x80xi32, #tpu.memory_space<vmem>>)
        tpu.yield
      }) : () -> ()
      %dma_start3A = arith.constant 0 : i32
      %dma_start3A_48 = arith.constant 0 : i32
      %dma_start3A_49 = arith.constant 0 : i32
      %dma_start3A_50 = arith.constant 0 : i32
      %dma_start3A_51 = tpu.memref_slice %arg10[%dma_start3A, %dma_start3A_49, %dma_start3A_50] : memref<75x1x80xi32, #tpu.memory_space<vmem>> -> memref<1x1x80xi32, #tpu.memory_space<vmem>>
      %dma_start3A_52 = tpu.memref_squeeze %dma_start3A_51 : memref<1x1x80xi32, #tpu.memory_space<vmem>> -> memref<1x80xi32, #tpu.memory_space<vmem>>
      %dma_start3A_53 = arith.constant 0 : i32
      %dma_start3A_54 = tpu.memref_slice %dma_start3A_52[%dma_start3A_48, %dma_start3A_53] : memref<1x80xi32, #tpu.memory_space<vmem>> -> memref<1x80xi32, #tpu.memory_space<vmem>>
      %dma_start3A_55 = tpu.memref_squeeze %dma_start3A_54 : memref<1x80xi32, #tpu.memory_space<vmem>> -> memref<80xi32, #tpu.memory_space<vmem>>
      %dma_start3A_56 = arith.constant 0 : i32
      %dma_start3A_57 = arith.constant 0 : i32
      %dma_start3A_58 = tpu.memref_slice %arg2[%dma_start3A_56, %dma_start3A_57] : memref<20000x128xf32, #tpu.memory_space<hbm>> -> memref<20000x128xf32, #tpu.memory_space<hbm>>
      tpu.enqueue_indirect_dma source(%dma_start3A_58 : memref<20000x128xf32, #tpu.memory_space<hbm>>) target(%arg6 : memref<80x128xf32, #tpu.memory_space<vmem>>) offsets(%dma_start3A_55 : memref<80xi32, #tpu.memory_space<vmem>>) semaphore(%arg12 : memref<!tpu.dma_semaphore, #tpu.memory_space<semaphore_mem>>)
      %dma_start3A_59 = arith.constant 1 : i32
      %dma_start3A_60 = arith.constant 0 : i32
      %dma_start3A_61 = arith.constant 0 : i32
      %dma_start3A_62 = arith.constant 0 : i32
      %dma_start3A_63 = tpu.memref_slice %arg10[%dma_start3A_59, %dma_start3A_61, %dma_start3A_62] : memref<75x1x80xi32, #tpu.memory_space<vmem>> -> memref<1x1x80xi32, #tpu.memory_space<vmem>>
      %dma_start3A_64 = tpu.memref_squeeze %dma_start3A_63 : memref<1x1x80xi32, #tpu.memory_space<vmem>> -> memref<1x80xi32, #tpu.memory_space<vmem>>
      %dma_start3A_65 = arith.constant 0 : i32
      %dma_start3A_66 = tpu.memref_slice %dma_start3A_64[%dma_start3A_60, %dma_start3A_65] : memref<1x80xi32, #tpu.memory_space<vmem>> -> memref<1x80xi32, #tpu.memory_space<vmem>>
      %dma_start3A_67 = tpu.memref_squeeze %dma_start3A_66 : memref<1x80xi32, #tpu.memory_space<vmem>> -> memref<80xi32, #tpu.memory_space<vmem>>
      %dma_start3A_68 = arith.constant 0 : i32
      %dma_start3A_69 = arith.constant 0 : i32
      %dma_start3A_70 = tpu.memref_slice %arg3[%dma_start3A_68, %dma_start3A_69] : memref<20000x128xf32, #tpu.memory_space<hbm>> -> memref<20000x128xf32, #tpu.memory_space<hbm>>
      tpu.enqueue_indirect_dma source(%dma_start3A_70 : memref<20000x128xf32, #tpu.memory_space<hbm>>) target(%arg7 : memref<80x128xf32, #tpu.memory_space<vmem>>) offsets(%dma_start3A_67 : memref<80xi32, #tpu.memory_space<vmem>>) semaphore(%arg13 : memref<!tpu.dma_semaphore, #tpu.memory_space<semaphore_mem>>)
      %scan3A_71 = arith.constant 0 : i32
      %scan3A_72 = arith.constant 12 : i32
      %scan3A_73 = arith.addi %scan3A_71, %scan3A_72 : i32
      %scan3A_74 = arith.constant 1 : i32
      scf.for %scan3A_105 = %scan3A_71 to %scan3A_73 step %scan3A_74  : i32 {
        %mul3A_106 = arith.constant 1 : i32
        %mul3A_107 = arith.muli %scan3A_105, %mul3A_106 : i32
        %add3A_108 = arith.constant 0 : i32
        %add3A_109 = arith.addi %add3A_108, %mul3A_107 : i32
        %mul3A_110 = arith.constant 2 : i32
        %mul3A_111 = arith.muli %mul3A_110, %add3A_109 : i32
        %add3A_112 = arith.constant 1 : i32
        %add3A_113 = arith.addi %mul3A_111, %add3A_112 : i32
        %mul3A_114 = arith.constant 3 : i32
        %mul3A_115 = arith.muli %mul3A_114, %add3A_113 : i32
        %dma_start3A_116 = arith.constant 0 : i32
        %dma_start3A_117 = arith.constant 0 : i32
        %dma_start3A_118 = arith.constant 0 : i32
        %dma_start3A_119 = tpu.memref_slice %arg10[%mul3A_115, %dma_start3A_117, %dma_start3A_118] : memref<75x1x80xi32, #tpu.memory_space<vmem>> -> memref<1x1x80xi32, #tpu.memory_space<vmem>>
        %dma_start3A_120 = tpu.memref_squeeze %dma_start3A_119 : memref<1x1x80xi32, #tpu.memory_space<vmem>> -> memref<1x80xi32, #tpu.memory_space<vmem>>
        %dma_start3A_121 = arith.constant 0 : i32
        %dma_start3A_122 = tpu.memref_slice %dma_start3A_120[%dma_start3A_116, %dma_start3A_121] : memref<1x80xi32, #tpu.memory_space<vmem>> -> memref<1x80xi32, #tpu.memory_space<vmem>>
        %dma_start3A_123 = tpu.memref_squeeze %dma_start3A_122 : memref<1x80xi32, #tpu.memory_space<vmem>> -> memref<80xi32, #tpu.memory_space<vmem>>
        %dma_start3A_124 = arith.constant 0 : i32
        %dma_start3A_125 = arith.constant 0 : i32
        %dma_start3A_126 = tpu.memref_slice %arg2[%dma_start3A_124, %dma_start3A_125] : memref<20000x128xf32, #tpu.memory_space<hbm>> -> memref<20000x128xf32, #tpu.memory_space<hbm>>
        tpu.enqueue_indirect_dma source(%dma_start3A_126 : memref<20000x128xf32, #tpu.memory_space<hbm>>) target(%arg8 : memref<80x128xf32, #tpu.memory_space<vmem>>) offsets(%dma_start3A_123 : memref<80xi32, #tpu.memory_space<vmem>>) semaphore(%arg14 : memref<!tpu.dma_semaphore, #tpu.memory_space<semaphore_mem>>)
        %mul3A_127 = arith.constant 3 : i32
        %mul3A_128 = arith.muli %mul3A_127, %add3A_113 : i32
        %add3A_129 = arith.constant 1 : i32
        %add3A_130 = arith.addi %mul3A_128, %add3A_129 : i32
        %dma_start3A_131 = arith.constant 0 : i32
        %dma_start3A_132 = arith.constant 0 : i32
        %dma_start3A_133 = arith.constant 0 : i32
        %dma_start3A_134 = tpu.memref_slice %arg10[%add3A_130, %dma_start3A_132, %dma_start3A_133] : memref<75x1x80xi32, #tpu.memory_space<vmem>> -> memref<1x1x80xi32, #tpu.memory_space<vmem>>
        %dma_start3A_135 = tpu.memref_squeeze %dma_start3A_134 : memref<1x1x80xi32, #tpu.memory_space<vmem>> -> memref<1x80xi32, #tpu.memory_space<vmem>>
        %dma_start3A_136 = arith.constant 0 : i32
        %dma_start3A_137 = tpu.memref_slice %dma_start3A_135[%dma_start3A_131, %dma_start3A_136] : memref<1x80xi32, #tpu.memory_space<vmem>> -> memref<1x80xi32, #tpu.memory_space<vmem>>
        %dma_start3A_138 = tpu.memref_squeeze %dma_start3A_137 : memref<1x80xi32, #tpu.memory_space<vmem>> -> memref<80xi32, #tpu.memory_space<vmem>>
        %dma_start3A_139 = arith.constant 0 : i32
        %dma_start3A_140 = arith.constant 0 : i32
        %dma_start3A_141 = tpu.memref_slice %arg3[%dma_start3A_139, %dma_start3A_140] : memref<20000x128xf32, #tpu.memory_space<hbm>> -> memref<20000x128xf32, #tpu.memory_space<hbm>>
        tpu.enqueue_indirect_dma source(%dma_start3A_141 : memref<20000x128xf32, #tpu.memory_space<hbm>>) target(%arg9 : memref<80x128xf32, #tpu.memory_space<vmem>>) offsets(%dma_start3A_138 : memref<80xi32, #tpu.memory_space<vmem>>) semaphore(%arg15 : memref<!tpu.dma_semaphore, #tpu.memory_space<semaphore_mem>>)
        %mul3A_142 = arith.constant 3 : i32
        %mul3A_143 = arith.muli %mul3A_142, %mul3A_111 : i32
        %dma_wait3A_144 = arith.constant 0 : i32
        %dma_wait3A_145 = arith.constant 0 : i32
        %dma_wait3A_146 = arith.constant 0 : i32
        %dma_wait3A_147 = tpu.memref_slice %arg10[%mul3A_143, %dma_wait3A_145, %dma_wait3A_146] : memref<75x1x80xi32, #tpu.memory_space<vmem>> -> memref<1x1x80xi32, #tpu.memory_space<vmem>>
        %dma_wait3A_148 = tpu.memref_squeeze %dma_wait3A_147 : memref<1x1x80xi32, #tpu.memory_space<vmem>> -> memref<1x80xi32, #tpu.memory_space<vmem>>
        %dma_wait3A_149 = arith.constant 0 : i32
        %dma_wait3A_150 = tpu.memref_slice %dma_wait3A_148[%dma_wait3A_144, %dma_wait3A_149] : memref<1x80xi32, #tpu.memory_space<vmem>> -> memref<1x80xi32, #tpu.memory_space<vmem>>
        %dma_wait3A_151 = tpu.memref_squeeze %dma_wait3A_150 : memref<1x80xi32, #tpu.memory_space<vmem>> -> memref<80xi32, #tpu.memory_space<vmem>>
        %dma_wait3A_152 = arith.constant 0 : i32
        %dma_wait3A_153 = arith.constant 0 : i32
        %dma_wait3A_154 = tpu.memref_slice %arg2[%dma_wait3A_152, %dma_wait3A_153] : memref<20000x128xf32, #tpu.memory_space<hbm>> -> memref<20000x128xf32, #tpu.memory_space<hbm>>
        tpu.wait_indirect_dma semaphore(%arg12 : memref<!tpu.dma_semaphore, #tpu.memory_space<semaphore_mem>>) src(%dma_wait3A_154 : memref<20000x128xf32, #tpu.memory_space<hbm>>) dst(%arg6 : memref<80x128xf32, #tpu.memory_space<vmem>>)
        %mul3A_155 = arith.constant 3 : i32
        %mul3A_156 = arith.muli %mul3A_155, %mul3A_111 : i32
        %add3A_157 = arith.constant 1 : i32
        %add3A_158 = arith.addi %mul3A_156, %add3A_157 : i32
        %dma_wait3A_159 = arith.constant 0 : i32
        %dma_wait3A_160 = arith.constant 0 : i32
        %dma_wait3A_161 = arith.constant 0 : i32
        %dma_wait3A_162 = tpu.memref_slice %arg10[%add3A_158, %dma_wait3A_160, %dma_wait3A_161] : memref<75x1x80xi32, #tpu.memory_space<vmem>> -> memref<1x1x80xi32, #tpu.memory_space<vmem>>
        %dma_wait3A_163 = tpu.memref_squeeze %dma_wait3A_162 : memref<1x1x80xi32, #tpu.memory_space<vmem>> -> memref<1x80xi32, #tpu.memory_space<vmem>>
        %dma_wait3A_164 = arith.constant 0 : i32
        %dma_wait3A_165 = tpu.memref_slice %dma_wait3A_163[%dma_wait3A_159, %dma_wait3A_164] : memref<1x80xi32, #tpu.memory_space<vmem>> -> memref<1x80xi32, #tpu.memory_space<vmem>>
        %dma_wait3A_166 = tpu.memref_squeeze %dma_wait3A_165 : memref<1x80xi32, #tpu.memory_space<vmem>> -> memref<80xi32, #tpu.memory_space<vmem>>
        %dma_wait3A_167 = arith.constant 0 : i32
        %dma_wait3A_168 = arith.constant 0 : i32
        %dma_wait3A_169 = tpu.memref_slice %arg3[%dma_wait3A_167, %dma_wait3A_168] : memref<20000x128xf32, #tpu.memory_space<hbm>> -> memref<20000x128xf32, #tpu.memory_space<hbm>>
        tpu.wait_indirect_dma semaphore(%arg13 : memref<!tpu.dma_semaphore, #tpu.memory_space<semaphore_mem>>) src(%dma_wait3A_169 : memref<20000x128xf32, #tpu.memory_space<hbm>>) dst(%arg7 : memref<80x128xf32, #tpu.memory_space<vmem>>)
        %scan3A_170 = arith.constant 0 : i32
        %scan3A_171 = arith.constant 80 : i32
        %scan3A_172 = arith.addi %scan3A_170, %scan3A_171 : i32
        %scan3A_173 = arith.constant 1 : i32
        scf.for %scan3A_250 = %scan3A_170 to %scan3A_172 step %scan3A_173  : i32 {
          %mul3A_251 = arith.constant 1 : i32
          %mul3A_252 = arith.muli %scan3A_250, %mul3A_251 : i32
          %add3A_253 = arith.constant 0 : i32
          %add3A_254 = arith.addi %add3A_253, %mul3A_252 : i32
          %get3A = arith.index_cast %add3A_254 : i32 to index
          %get3A_255 = arith.constant 0 : index
          %get3A_256 = tpu.vector_load %arg6[%get3A, %get3A_255] {strides = array<i32>} : memref<80x128xf32, #tpu.memory_space<vmem>>, vector<1x16xf32>,
          %get3A_257 = vector.shape_cast %get3A_256 : vector<1x16xf32> to vector<16xf32>
          %get3A_258 = arith.index_cast %add3A_254 : i32 to index
          %get3A_259 = arith.constant 0 : index
          %get3A_260 = tpu.vector_load %arg7[%get3A_258, %get3A_259] {strides = array<i32>} : memref<80x128xf32, #tpu.memory_space<vmem>>, vector<1x16xf32>,
          %get3A_261 = vector.shape_cast %get3A_260 : vector<1x16xf32> to vector<16xf32>
          %add3A_262 = arith.addf %get3A_257, %get3A_261 : vector<16xf32>
          %max3A = arith.constant 0.000000e+00 : f32
          %max3A_263 = vector.broadcast %max3A : f32 to vector<16xf32>
          %max3A_264 = arith.maximumf %add3A_262, %max3A_263 : vector<16xf32>
          %swap3A = arith.index_cast %add3A_254 : i32 to index
          %swap3A_265 = arith.constant 0 : index
          %swap3A_266 = tpu.vector_load %arg6[%swap3A, %swap3A_265] {strides = array<i32>} : memref<80x128xf32, #tpu.memory_space<vmem>>, vector<1x16xf32>,
          %swap3A_267 = vector.shape_cast %swap3A_266 : vector<1x16xf32> to vector<16xf32>
          %swap3A_268 = vector.shape_cast %max3A_264 : vector<16xf32> to vector<1x16xf32>
          tpu.vector_store %arg6[%swap3A, %swap3A_265], %swap3A_268 {strides = array<i32>} : memref<80x128xf32, #tpu.memory_space<vmem>>, vector<1x16xf32>,
          %get3A_269 = arith.index_cast %add3A_254 : i32 to index
          %get3A_270 = arith.constant 16 : index
          %get3A_271 = tpu.vector_load %arg6[%get3A_269, %get3A_270] {strides = array<i32>} : memref<80x128xf32, #tpu.memory_space<vmem>>, vector<1x16xf32>,
          %get3A_272 = vector.shape_cast %get3A_271 : vector<1x16xf32> to vector<16xf32>
          %get3A_273 = arith.index_cast %add3A_254 : i32 to index
          %get3A_274 = arith.constant 16 : index
          %get3A_275 = tpu.vector_load %arg7[%get3A_273, %get3A_274] {strides = array<i32>} : memref<80x128xf32, #tpu.memory_space<vmem>>, vector<1x16xf32>,
          %get3A_276 = vector.shape_cast %get3A_275 : vector<1x16xf32> to vector<16xf32>
          %add3A_277 = arith.addf %get3A_272, %get3A_276 : vector<16xf32>
          %max3A_278 = arith.constant 0.000000e+00 : f32
          %max3A_279 = vector.broadcast %max3A_278 : f32 to vector<16xf32>
          %max3A_280 = arith.maximumf %add3A_277, %max3A_279 : vector<16xf32>
          %swap3A_281 = arith.index_cast %add3A_254 : i32 to index
          %swap3A_282 = arith.constant 16 : index
          %swap3A_283 = tpu.vector_load %arg6[%swap3A_281, %swap3A_282] {strides = array<i32>} : memref<80x128xf32, #tpu.memory_space<vmem>>, vector<1x16xf32>,
          %swap3A_284 = vector.shape_cast %swap3A_283 : vector<1x16xf32> to vector<16xf32>
          %swap3A_285 = vector.shape_cast %max3A_280 : vector<16xf32> to vector<1x16xf32>
          tpu.vector_store %arg6[%swap3A_281, %swap3A_282], %swap3A_285 {strides = array<i32>} : memref<80x128xf32, #tpu.memory_space<vmem>>, vector<1x16xf32>,
          %get3A_286 = arith.index_cast %add3A_254 : i32 to index
          %get3A_287 = arith.constant 32 : index
          %get3A_288 = tpu.vector_load %arg6[%get3A_286, %get3A_287] {strides = array<i32>} : memref<80x128xf32, #tpu.memory_space<vmem>>, vector<1x16xf32>,
          %get3A_289 = vector.shape_cast %get3A_288 : vector<1x16xf32> to vector<16xf32>
          %get3A_290 = arith.index_cast %add3A_254 : i32 to index
          %get3A_291 = arith.constant 32 : index
          %get3A_292 = tpu.vector_load %arg7[%get3A_290, %get3A_291] {strides = array<i32>} : memref<80x128xf32, #tpu.memory_space<vmem>>, vector<1x16xf32>,
          %get3A_293 = vector.shape_cast %get3A_292 : vector<1x16xf32> to vector<16xf32>
          %add3A_294 = arith.addf %get3A_289, %get3A_293 : vector<16xf32>
          %max3A_295 = arith.constant 0.000000e+00 : f32
          %max3A_296 = vector.broadcast %max3A_295 : f32 to vector<16xf32>
          %max3A_297 = arith.maximumf %add3A_294, %max3A_296 : vector<16xf32>
          %swap3A_298 = arith.index_cast %add3A_254 : i32 to index
          %swap3A_299 = arith.constant 32 : index
          %swap3A_300 = tpu.vector_load %arg6[%swap3A_298, %swap3A_299] {strides = array<i32>} : memref<80x128xf32, #tpu.memory_space<vmem>>, vector<1x16xf32>,
          %swap3A_301 = vector.shape_cast %swap3A_300 : vector<1x16xf32> to vector<16xf32>
          %swap3A_302 = vector.shape_cast %max3A_297 : vector<16xf32> to vector<1x16xf32>
          tpu.vector_store %arg6[%swap3A_298, %swap3A_299], %swap3A_302 {strides = array<i32>} : memref<80x128xf32, #tpu.memory_space<vmem>>, vector<1x16xf32>,
          %get3A_303 = arith.index_cast %add3A_254 : i32 to index
          %get3A_304 = arith.constant 48 : index
          %get3A_305 = tpu.vector_load %arg6[%get3A_303, %get3A_304] {strides = array<i32>} : memref<80x128xf32, #tpu.memory_space<vmem>>, vector<1x16xf32>,
          %get3A_306 = vector.shape_cast %get3A_305 : vector<1x16xf32> to vector<16xf32>
          %get3A_307 = arith.index_cast %add3A_254 : i32 to index
          %get3A_308 = arith.constant 48 : index
          %get3A_309 = tpu.vector_load %arg7[%get3A_307, %get3A_308] {strides = array<i32>} : memref<80x128xf32, #tpu.memory_space<vmem>>, vector<1x16xf32>,
          %get3A_310 = vector.shape_cast %get3A_309 : vector<1x16xf32> to vector<16xf32>
          %add3A_311 = arith.addf %get3A_306, %get3A_310 : vector<16xf32>
          %max3A_312 = arith.constant 0.000000e+00 : f32
          %max3A_313 = vector.broadcast %max3A_312 : f32 to vector<16xf32>
          %max3A_314 = arith.maximumf %add3A_311, %max3A_313 : vector<16xf32>
          %swap3A_315 = arith.index_cast %add3A_254 : i32 to index
          %swap3A_316 = arith.constant 48 : index
          %swap3A_317 = tpu.vector_load %arg6[%swap3A_315, %swap3A_316] {strides = array<i32>} : memref<80x128xf32, #tpu.memory_space<vmem>>, vector<1x16xf32>,
          %swap3A_318 = vector.shape_cast %swap3A_317 : vector<1x16xf32> to vector<16xf32>
          %swap3A_319 = vector.shape_cast %max3A_314 : vector<16xf32> to vector<1x16xf32>
          tpu.vector_store %arg6[%swap3A_315, %swap3A_316], %swap3A_319 {strides = array<i32>} : memref<80x128xf32, #tpu.memory_space<vmem>>, vector<1x16xf32>,
          %get3A_320 = arith.index_cast %add3A_254 : i32 to index
          %get3A_321 = arith.constant 64 : index
          %get3A_322 = tpu.vector_load %arg6[%get3A_320, %get3A_321] {strides = array<i32>} : memref<80x128xf32, #tpu.memory_space<vmem>>, vector<1x16xf32>,
          %get3A_323 = vector.shape_cast %get3A_322 : vector<1x16xf32> to vector<16xf32>
          %get3A_324 = arith.index_cast %add3A_254 : i32 to index
          %get3A_325 = arith.constant 64 : index
          %get3A_326 = tpu.vector_load %arg7[%get3A_324, %get3A_325] {strides = array<i32>} : memref<80x128xf32, #tpu.memory_space<vmem>>, vector<1x16xf32>,
          %get3A_327 = vector.shape_cast %get3A_326 : vector<1x16xf32> to vector<16xf32>
          %add3A_328 = arith.addf %get3A_323, %get3A_327 : vector<16xf32>
          %max3A_329 = arith.constant 0.000000e+00 : f32
          %max3A_330 = vector.broadcast %max3A_329 : f32 to vector<16xf32>
          %max3A_331 = arith.maximumf %add3A_328, %max3A_330 : vector<16xf32>
          %swap3A_332 = arith.index_cast %add3A_254 : i32 to index
          %swap3A_333 = arith.constant 64 : index
          %swap3A_334 = tpu.vector_load %arg6[%swap3A_332, %swap3A_333] {strides = array<i32>} : memref<80x128xf32, #tpu.memory_space<vmem>>, vector<1x16xf32>,
          %swap3A_335 = vector.shape_cast %swap3A_334 : vector<1x16xf32> to vector<16xf32>
          %swap3A_336 = vector.shape_cast %max3A_331 : vector<16xf32> to vector<1x16xf32>
          tpu.vector_store %arg6[%swap3A_332, %swap3A_333], %swap3A_336 {strides = array<i32>} : memref<80x128xf32, #tpu.memory_space<vmem>>, vector<1x16xf32>,
          %get3A_337 = arith.index_cast %add3A_254 : i32 to index
          %get3A_338 = arith.constant 80 : index
          %get3A_339 = tpu.vector_load %arg6[%get3A_337, %get3A_338] {strides = array<i32>} : memref<80x128xf32, #tpu.memory_space<vmem>>, vector<1x16xf32>,
          %get3A_340 = vector.shape_cast %get3A_339 : vector<1x16xf32> to vector<16xf32>
          %get3A_341 = arith.index_cast %add3A_254 : i32 to index
          %get3A_342 = arith.constant 80 : index
          %get3A_343 = tpu.vector_load %arg7[%get3A_341, %get3A_342] {strides = array<i32>} : memref<80x128xf32, #tpu.memory_space<vmem>>, vector<1x16xf32>,
          %get3A_344 = vector.shape_cast %get3A_343 : vector<1x16xf32> to vector<16xf32>
          %add3A_345 = arith.addf %get3A_340, %get3A_344 : vector<16xf32>
          %max3A_346 = arith.constant 0.000000e+00 : f32
          %max3A_347 = vector.broadcast %max3A_346 : f32 to vector<16xf32>
          %max3A_348 = arith.maximumf %add3A_345, %max3A_347 : vector<16xf32>
          %swap3A_349 = arith.index_cast %add3A_254 : i32 to index
          %swap3A_350 = arith.constant 80 : index
          %swap3A_351 = tpu.vector_load %arg6[%swap3A_349, %swap3A_350] {strides = array<i32>} : memref<80x128xf32, #tpu.memory_space<vmem>>, vector<1x16xf32>,
          %swap3A_352 = vector.shape_cast %swap3A_351 : vector<1x16xf32> to vector<16xf32>
          %swap3A_353 = vector.shape_cast %max3A_348 : vector<16xf32> to vector<1x16xf32>
          tpu.vector_store %arg6[%swap3A_349, %swap3A_350], %swap3A_353 {strides = array<i32>} : memref<80x128xf32, #tpu.memory_space<vmem>>, vector<1x16xf32>,
          %get3A_354 = arith.index_cast %add3A_254 : i32 to index
          %get3A_355 = arith.constant 96 : index
          %get3A_356 = tpu.vector_load %arg6[%get3A_354, %get3A_355] {strides = array<i32>} : memref<80x128xf32, #tpu.memory_space<vmem>>, vector<1x16xf32>,
          %get3A_357 = vector.shape_cast %get3A_356 : vector<1x16xf32> to vector<16xf32>
          %get3A_358 = arith.index_cast %add3A_254 : i32 to index
          %get3A_359 = arith.constant 96 : index
          %get3A_360 = tpu.vector_load %arg7[%get3A_358, %get3A_359] {strides = array<i32>} : memref<80x128xf32, #tpu.memory_space<vmem>>, vector<1x16xf32>,
          %get3A_361 = vector.shape_cast %get3A_360 : vector<1x16xf32> to vector<16xf32>
          %add3A_362 = arith.addf %get3A_357, %get3A_361 : vector<16xf32>
          %max3A_363 = arith.constant 0.000000e+00 : f32
          %max3A_364 = vector.broadcast %max3A_363 : f32 to vector<16xf32>
          %max3A_365 = arith.maximumf %add3A_362, %max3A_364 : vector<16xf32>
          %swap3A_366 = arith.index_cast %add3A_254 : i32 to index
          %swap3A_367 = arith.constant 96 : index
          %swap3A_368 = tpu.vector_load %arg6[%swap3A_366, %swap3A_367] {strides = array<i32>} : memref<80x128xf32, #tpu.memory_space<vmem>>, vector<1x16xf32>,
          %swap3A_369 = vector.shape_cast %swap3A_368 : vector<1x16xf32> to vector<16xf32>
          %swap3A_370 = vector.shape_cast %max3A_365 : vector<16xf32> to vector<1x16xf32>
          tpu.vector_store %arg6[%swap3A_366, %swap3A_367], %swap3A_370 {strides = array<i32>} : memref<80x128xf32, #tpu.memory_space<vmem>>, vector<1x16xf32>,
          %get3A_371 = arith.index_cast %add3A_254 : i32 to index
          %get3A_372 = arith.constant 112 : index
          %get3A_373 = tpu.vector_load %arg6[%get3A_371, %get3A_372] {strides = array<i32>} : memref<80x128xf32, #tpu.memory_space<vmem>>, vector<1x16xf32>,
          %get3A_374 = vector.shape_cast %get3A_373 : vector<1x16xf32> to vector<16xf32>
          %get3A_375 = arith.index_cast %add3A_254 : i32 to index
          %get3A_376 = arith.constant 112 : index
          %get3A_377 = tpu.vector_load %arg7[%get3A_375, %get3A_376] {strides = array<i32>} : memref<80x128xf32, #tpu.memory_space<vmem>>, vector<1x16xf32>,
          %get3A_378 = vector.shape_cast %get3A_377 : vector<1x16xf32> to vector<16xf32>
          %add3A_379 = arith.addf %get3A_374, %get3A_378 : vector<16xf32>
          %max3A_380 = arith.constant 0.000000e+00 : f32
          %max3A_381 = vector.broadcast %max3A_380 : f32 to vector<16xf32>
          %max3A_382 = arith.maximumf %add3A_379, %max3A_381 : vector<16xf32>
          %swap3A_383 = arith.index_cast %add3A_254 : i32 to index
          %swap3A_384 = arith.constant 112 : index
          %swap3A_385 = tpu.vector_load %arg6[%swap3A_383, %swap3A_384] {strides = array<i32>} : memref<80x128xf32, #tpu.memory_space<vmem>>, vector<1x16xf32>,
          %swap3A_386 = vector.shape_cast %swap3A_385 : vector<1x16xf32> to vector<16xf32>
          %swap3A_387 = vector.shape_cast %max3A_382 : vector<16xf32> to vector<1x16xf32>
          tpu.vector_store %arg6[%swap3A_383, %swap3A_384], %swap3A_387 {strides = array<i32>} : memref<80x128xf32, #tpu.memory_space<vmem>>, vector<1x16xf32>,
        }
        %scan3A_174 = arith.constant 80 : i32
        %mul3A_175 = arith.constant 3 : i32
        %mul3A_176 = arith.muli %mul3A_175, %mul3A_111 : i32
        %add3A_177 = arith.constant 2 : i32
        %add3A_178 = arith.addi %mul3A_176, %add3A_177 : i32
        %run_scoped3A_179 = arith.constant 0 : i32
        "tpu.region"() ({
          %run_scoped3A_250 = tpu.sem_alloc : memref<!tpu.dma_semaphore, #tpu.memory_space<semaphore_mem>>
          %dma_start3A_251 = arith.constant 0 : i32
          %dma_start3A_252 = arith.constant 0 : i32
          %dma_start3A_253 = tpu.memref_slice %arg10[%add3A_178, %dma_start3A_251, %dma_start3A_252] : memref<75x1x80xi32, #tpu.memory_space<vmem>> -> memref<1x1x80xi32, #tpu.memory_space<vmem>>
          %dma_start3A_254 = tpu.memref_squeeze %dma_start3A_253 : memref<1x1x80xi32, #tpu.memory_space<vmem>> -> memref<1x80xi32, #tpu.memory_space<vmem>>
          %dma_start3A_255 = arith.constant 0 : i32
          %dma_start3A_256 = tpu.memref_slice %dma_start3A_254[%run_scoped3A_179, %dma_start3A_255] : memref<1x80xi32, #tpu.memory_space<vmem>> -> memref<1x80xi32, #tpu.memory_space<vmem>>
          %dma_start3A_257 = tpu.memref_squeeze %dma_start3A_256 : memref<1x80xi32, #tpu.memory_space<vmem>> -> memref<80xi32, #tpu.memory_space<vmem>>
          %dma_start3A_258 = arith.constant 0 : i32
          %dma_start3A_259 = arith.constant 0 : i32
          %dma_start3A_260 = tpu.memref_slice %arg11[%dma_start3A_258, %dma_start3A_259] : memref<10000x128xf32, #tpu.memory_space<vmem_shared>> -> memref<10000x128xf32, #tpu.memory_space<vmem_shared>>
          tpu.enqueue_indirect_dma source(%arg6 : memref<80x128xf32, #tpu.memory_space<vmem>>) target(%dma_start3A_260 : memref<10000x128xf32, #tpu.memory_space<vmem_shared>>) offsets(%dma_start3A_257 : memref<80xi32, #tpu.memory_space<vmem>>) semaphore(%run_scoped3A_250 : memref<!tpu.dma_semaphore, #tpu.memory_space<semaphore_mem>>) {add = true}
          %dma_wait3A_261 = arith.constant 0 : i32
          %dma_wait3A_262 = arith.constant 0 : i32
          %dma_wait3A_263 = tpu.memref_slice %arg10[%add3A_178, %dma_wait3A_261, %dma_wait3A_262] : memref<75x1x80xi32, #tpu.memory_space<vmem>> -> memref<1x1x80xi32, #tpu.memory_space<vmem>>
          %dma_wait3A_264 = tpu.memref_squeeze %dma_wait3A_263 : memref<1x1x80xi32, #tpu.memory_space<vmem>> -> memref<1x80xi32, #tpu.memory_space<vmem>>
          %dma_wait3A_265 = arith.constant 0 : i32
          %dma_wait3A_266 = tpu.memref_slice %dma_wait3A_264[%run_scoped3A_179, %dma_wait3A_265] : memref<1x80xi32, #tpu.memory_space<vmem>> -> memref<1x80xi32, #tpu.memory_space<vmem>>
          %dma_wait3A_267 = tpu.memref_squeeze %dma_wait3A_266 : memref<1x80xi32, #tpu.memory_space<vmem>> -> memref<80xi32, #tpu.memory_space<vmem>>
          %dma_wait3A_268 = arith.constant 0 : i32
          %dma_wait3A_269 = arith.constant 0 : i32
          %dma_wait3A_270 = tpu.memref_slice %arg11[%dma_wait3A_268, %dma_wait3A_269] : memref<10000x128xf32, #tpu.memory_space<vmem_shared>> -> memref<10000x128xf32, #tpu.memory_space<vmem_shared>>
          tpu.wait_indirect_dma semaphore(%run_scoped3A_250 : memref<!tpu.dma_semaphore, #tpu.memory_space<semaphore_mem>>) src(%arg6 : memref<80x128xf32, #tpu.memory_space<vmem>>) dst(%dma_wait3A_270 : memref<10000x128xf32, #tpu.memory_space<vmem_shared>>)
          tpu.yield
        }) : () -> ()
        %add3A_180 = arith.constant 2 : i32
        %add3A_181 = arith.addi %mul3A_111, %add3A_180 : i32
        %mul3A_182 = arith.constant 3 : i32
        %mul3A_183 = arith.muli %mul3A_182, %add3A_181 : i32
        %dma_start3A_184 = arith.constant 0 : i32
        %dma_start3A_185 = arith.constant 0 : i32
        %dma_start3A_186 = arith.constant 0 : i32
        %dma_start3A_187 = tpu.memref_slice %arg10[%mul3A_183, %dma_start3A_185, %dma_start3A_186] : memref<75x1x80xi32, #tpu.memory_space<vmem>> -> memref<1x1x80xi32, #tpu.memory_space<vmem>>
        %dma_start3A_188 = tpu.memref_squeeze %dma_start3A_187 : memref<1x1x80xi32, #tpu.memory_space<vmem>> -> memref<1x80xi32, #tpu.memory_space<vmem>>
        %dma_start3A_189 = arith.constant 0 : i32
        %dma_start3A_190 = tpu.memref_slice %dma_start3A_188[%dma_start3A_184, %dma_start3A_189] : memref<1x80xi32, #tpu.memory_space<vmem>> -> memref<1x80xi32, #tpu.memory_space<vmem>>
        %dma_start3A_191 = tpu.memref_squeeze %dma_start3A_190 : memref<1x80xi32, #tpu.memory_space<vmem>> -> memref<80xi32, #tpu.memory_space<vmem>>
        %dma_start3A_192 = arith.constant 0 : i32
        %dma_start3A_193 = arith.constant 0 : i32
        %dma_start3A_194 = tpu.memref_slice %arg2[%dma_start3A_192, %dma_start3A_193] : memref<20000x128xf32, #tpu.memory_space<hbm>> -> memref<20000x128xf32, #tpu.memory_space<hbm>>
        tpu.enqueue_indirect_dma source(%dma_start3A_194 : memref<20000x128xf32, #tpu.memory_space<hbm>>) target(%arg6 : memref<80x128xf32, #tpu.memory_space<vmem>>) offsets(%dma_start3A_191 : memref<80xi32, #tpu.memory_space<vmem>>) semaphore(%arg12 : memref<!tpu.dma_semaphore, #tpu.memory_space<semaphore_mem>>)
        %mul3A_195 = arith.constant 3 : i32
        %mul3A_196 = arith.muli %mul3A_195, %add3A_181 : i32
        %add3A_197 = arith.constant 1 : i32
        %add3A_198 = arith.addi %mul3A_196, %add3A_197 : i32
        %dma_start3A_199 = arith.constant 0 : i32
        %dma_start3A_200 = arith.constant 0 : i32
        %dma_start3A_201 = arith.constant 0 : i32
        %dma_start3A_202 = tpu.memref_slice %arg10[%add3A_198, %dma_start3A_200, %dma_start3A_201] : memref<75x1x80xi32, #tpu.memory_space<vmem>> -> memref<1x1x80xi32, #tpu.memory_space<vmem>>
        %dma_start3A_203 = tpu.memref_squeeze %dma_start3A_202 : memref<1x1x80xi32, #tpu.memory_space<vmem>> -> memref<1x80xi32, #tpu.memory_space<vmem>>
        %dma_start3A_204 = arith.constant 0 : i32
        %dma_start3A_205 = tpu.memref_slice %dma_start3A_203[%dma_start3A_199, %dma_start3A_204] : memref<1x80xi32, #tpu.memory_space<vmem>> -> memref<1x80xi32, #tpu.memory_space<vmem>>
        %dma_start3A_206 = tpu.memref_squeeze %dma_start3A_205 : memref<1x80xi32, #tpu.memory_space<vmem>> -> memref<80xi32, #tpu.memory_space<vmem>>
        %dma_start3A_207 = arith.constant 0 : i32
        %dma_start3A_208 = arith.constant 0 : i32
        %dma_start3A_209 = tpu.memref_slice %arg3[%dma_start3A_207, %dma_start3A_208] : memref<20000x128xf32, #tpu.memory_space<hbm>> -> memref<20000x128xf32, #tpu.memory_space<hbm>>
        tpu.enqueue_indirect_dma source(%dma_start3A_209 : memref<20000x128xf32, #tpu.memory_space<hbm>>) target(%arg7 : memref<80x128xf32, #tpu.memory_space<vmem>>) offsets(%dma_start3A_206 : memref<80xi32, #tpu.memory_space<vmem>>) semaphore(%arg13 : memref<!tpu.dma_semaphore, #tpu.memory_space<semaphore_mem>>)
        %add3A_210 = arith.constant 1 : i32
        %add3A_211 = arith.addi %mul3A_111, %add3A_210 : i32
        %mul3A_212 = arith.constant 3 : i32
        %mul3A_213 = arith.muli %mul3A_212, %add3A_211 : i32
        %dma_wait3A_214 = arith.constant 0 : i32
        %dma_wait3A_215 = arith.constant 0 : i32
        %dma_wait3A_216 = arith.constant 0 : i32
        %dma_wait3A_217 = tpu.memref_slice %arg10[%mul3A_213, %dma_wait3A_215, %dma_wait3A_216] : memref<75x1x80xi32, #tpu.memory_space<vmem>> -> memref<1x1x80xi32, #tpu.memory_space<vmem>>
        %dma_wait3A_218 = tpu.memref_squeeze %dma_wait3A_217 : memref<1x1x80xi32, #tpu.memory_space<vmem>> -> memref<1x80xi32, #tpu.memory_space<vmem>>
        %dma_wait3A_219 = arith.constant 0 : i32
        %dma_wait3A_220 = tpu.memref_slice %dma_wait3A_218[%dma_wait3A_214, %dma_wait3A_219] : memref<1x80xi32, #tpu.memory_space<vmem>> -> memref<1x80xi32, #tpu.memory_space<vmem>>
        %dma_wait3A_221 = tpu.memref_squeeze %dma_wait3A_220 : memref<1x80xi32, #tpu.memory_space<vmem>> -> memref<80xi32, #tpu.memory_space<vmem>>
        %dma_wait3A_222 = arith.constant 0 : i32
        %dma_wait3A_223 = arith.constant 0 : i32
        %dma_wait3A_224 = tpu.memref_slice %arg2[%dma_wait3A_222, %dma_wait3A_223] : memref<20000x128xf32, #tpu.memory_space<hbm>> -> memref<20000x128xf32, #tpu.memory_space<hbm>>
        tpu.wait_indirect_dma semaphore(%arg14 : memref<!tpu.dma_semaphore, #tpu.memory_space<semaphore_mem>>) src(%dma_wait3A_224 : memref<20000x128xf32, #tpu.memory_space<hbm>>) dst(%arg8 : memref<80x128xf32, #tpu.memory_space<vmem>>)
        %mul3A_225 = arith.constant 3 : i32
        %mul3A_226 = arith.muli %mul3A_225, %add3A_211 : i32
        %add3A_227 = arith.constant 1 : i32
        %add3A_228 = arith.addi %mul3A_226, %add3A_227 : i32
        %dma_wait3A_229 = arith.constant 0 : i32
        %dma_wait3A_230 = arith.constant 0 : i32
        %dma_wait3A_231 = arith.constant 0 : i32
        %dma_wait3A_232 = tpu.memref_slice %arg10[%add3A_228, %dma_wait3A_230, %dma_wait3A_231] : memref<75x1x80xi32, #tpu.memory_space<vmem>> -> memref<1x1x80xi32, #tpu.memory_space<vmem>>
        %dma_wait3A_233 = tpu.memref_squeeze %dma_wait3A_232 : memref<1x1x80xi32, #tpu.memory_space<vmem>> -> memref<1x80xi32, #tpu.memory_space<vmem>>
        %dma_wait3A_234 = arith.constant 0 : i32
        %dma_wait3A_235 = tpu.memref_slice %dma_wait3A_233[%dma_wait3A_229, %dma_wait3A_234] : memref<1x80xi32, #tpu.memory_space<vmem>> -> memref<1x80xi32, #tpu.memory_space<vmem>>
        %dma_wait3A_236 = tpu.memref_squeeze %dma_wait3A_235 : memref<1x80xi32, #tpu.memory_space<vmem>> -> memref<80xi32, #tpu.memory_space<vmem>>
        %dma_wait3A_237 = arith.constant 0 : i32
        %dma_wait3A_238 = arith.constant 0 : i32
        %dma_wait3A_239 = tpu.memref_slice %arg3[%dma_wait3A_237, %dma_wait3A_238] : memref<20000x128xf32, #tpu.memory_space<hbm>> -> memref<20000x128xf32, #tpu.memory_space<hbm>>
        tpu.wait_indirect_dma semaphore(%arg15 : memref<!tpu.dma_semaphore, #tpu.memory_space<semaphore_mem>>) src(%dma_wait3A_239 : memref<20000x128xf32, #tpu.memory_space<hbm>>) dst(%arg9 : memref<80x128xf32, #tpu.memory_space<vmem>>)
        %scan3A_240 = arith.constant 0 : i32
        %scan3A_241 = arith.constant 80 : i32
        %scan3A_242 = arith.addi %scan3A_240, %scan3A_241 : i32
        %scan3A_243 = arith.constant 1 : i32
        scf.for %scan3A_250 = %scan3A_240 to %scan3A_242 step %scan3A_243  : i32 {
          %mul3A_251 = arith.constant 1 : i32
          %mul3A_252 = arith.muli %scan3A_250, %mul3A_251 : i32
          %add3A_253 = arith.constant 0 : i32
          %add3A_254 = arith.addi %add3A_253, %mul3A_252 : i32
          %get3A = arith.index_cast %add3A_254 : i32 to index
          %get3A_255 = arith.constant 0 : index
          %get3A_256 = tpu.vector_load %arg8[%get3A, %get3A_255] {strides = array<i32>} : memref<80x128xf32, #tpu.memory_space<vmem>>, vector<1x16xf32>,
          %get3A_257 = vector.shape_cast %get3A_256 : vector<1x16xf32> to vector<16xf32>
          %get3A_258 = arith.index_cast %add3A_254 : i32 to index
          %get3A_259 = arith.constant 0 : index
          %get3A_260 = tpu.vector_load %arg9[%get3A_258, %get3A_259] {strides = array<i32>} : memref<80x128xf32, #tpu.memory_space<vmem>>, vector<1x16xf32>,
          %get3A_261 = vector.shape_cast %get3A_260 : vector<1x16xf32> to vector<16xf32>
          %add3A_262 = arith.addf %get3A_257, %get3A_261 : vector<16xf32>
          %max3A = arith.constant 0.000000e+00 : f32
          %max3A_263 = vector.broadcast %max3A : f32 to vector<16xf32>
          %max3A_264 = arith.maximumf %add3A_262, %max3A_263 : vector<16xf32>
          %swap3A = arith.index_cast %add3A_254 : i32 to index
          %swap3A_265 = arith.constant 0 : index
          %swap3A_266 = tpu.vector_load %arg8[%swap3A, %swap3A_265] {strides = array<i32>} : memref<80x128xf32, #tpu.memory_space<vmem>>, vector<1x16xf32>,
          %swap3A_267 = vector.shape_cast %swap3A_266 : vector<1x16xf32> to vector<16xf32>
          %swap3A_268 = vector.shape_cast %max3A_264 : vector<16xf32> to vector<1x16xf32>
          tpu.vector_store %arg8[%swap3A, %swap3A_265], %swap3A_268 {strides = array<i32>} : memref<80x128xf32, #tpu.memory_space<vmem>>, vector<1x16xf32>,
          %get3A_269 = arith.index_cast %add3A_254 : i32 to index
          %get3A_270 = arith.constant 16 : index
          %get3A_271 = tpu.vector_load %arg8[%get3A_269, %get3A_270] {strides = array<i32>} : memref<80x128xf32, #tpu.memory_space<vmem>>, vector<1x16xf32>,
          %get3A_272 = vector.shape_cast %get3A_271 : vector<1x16xf32> to vector<16xf32>
          %get3A_273 = arith.index_cast %add3A_254 : i32 to index
          %get3A_274 = arith.constant 16 : index
          %get3A_275 = tpu.vector_load %arg9[%get3A_273, %get3A_274] {strides = array<i32>} : memref<80x128xf32, #tpu.memory_space<vmem>>, vector<1x16xf32>,
          %get3A_276 = vector.shape_cast %get3A_275 : vector<1x16xf32> to vector<16xf32>
          %add3A_277 = arith.addf %get3A_272, %get3A_276 : vector<16xf32>
          %max3A_278 = arith.constant 0.000000e+00 : f32
          %max3A_279 = vector.broadcast %max3A_278 : f32 to vector<16xf32>
          %max3A_280 = arith.maximumf %add3A_277, %max3A_279 : vector<16xf32>
          %swap3A_281 = arith.index_cast %add3A_254 : i32 to index
          %swap3A_282 = arith.constant 16 : index
          %swap3A_283 = tpu.vector_load %arg8[%swap3A_281, %swap3A_282] {strides = array<i32>} : memref<80x128xf32, #tpu.memory_space<vmem>>, vector<1x16xf32>,
          %swap3A_284 = vector.shape_cast %swap3A_283 : vector<1x16xf32> to vector<16xf32>
          %swap3A_285 = vector.shape_cast %max3A_280 : vector<16xf32> to vector<1x16xf32>
          tpu.vector_store %arg8[%swap3A_281, %swap3A_282], %swap3A_285 {strides = array<i32>} : memref<80x128xf32, #tpu.memory_space<vmem>>, vector<1x16xf32>,
          %get3A_286 = arith.index_cast %add3A_254 : i32 to index
          %get3A_287 = arith.constant 32 : index
          %get3A_288 = tpu.vector_load %arg8[%get3A_286, %get3A_287] {strides = array<i32>} : memref<80x128xf32, #tpu.memory_space<vmem>>, vector<1x16xf32>,
          %get3A_289 = vector.shape_cast %get3A_288 : vector<1x16xf32> to vector<16xf32>
          %get3A_290 = arith.index_cast %add3A_254 : i32 to index
          %get3A_291 = arith.constant 32 : index
          %get3A_292 = tpu.vector_load %arg9[%get3A_290, %get3A_291] {strides = array<i32>} : memref<80x128xf32, #tpu.memory_space<vmem>>, vector<1x16xf32>,
          %get3A_293 = vector.shape_cast %get3A_292 : vector<1x16xf32> to vector<16xf32>
          %add3A_294 = arith.addf %get3A_289, %get3A_293 : vector<16xf32>
          %max3A_295 = arith.constant 0.000000e+00 : f32
          %max3A_296 = vector.broadcast %max3A_295 : f32 to vector<16xf32>
          %max3A_297 = arith.maximumf %add3A_294, %max3A_296 : vector<16xf32>
          %swap3A_298 = arith.index_cast %add3A_254 : i32 to index
          %swap3A_299 = arith.constant 32 : index
          %swap3A_300 = tpu.vector_load %arg8[%swap3A_298, %swap3A_299] {strides = array<i32>} : memref<80x128xf32, #tpu.memory_space<vmem>>, vector<1x16xf32>,
          %swap3A_301 = vector.shape_cast %swap3A_300 : vector<1x16xf32> to vector<16xf32>
          %swap3A_302 = vector.shape_cast %max3A_297 : vector<16xf32> to vector<1x16xf32>
          tpu.vector_store %arg8[%swap3A_298, %swap3A_299], %swap3A_302 {strides = array<i32>} : memref<80x128xf32, #tpu.memory_space<vmem>>, vector<1x16xf32>,
          %get3A_303 = arith.index_cast %add3A_254 : i32 to index
          %get3A_304 = arith.constant 48 : index
          %get3A_305 = tpu.vector_load %arg8[%get3A_303, %get3A_304] {strides = array<i32>} : memref<80x128xf32, #tpu.memory_space<vmem>>, vector<1x16xf32>,
          %get3A_306 = vector.shape_cast %get3A_305 : vector<1x16xf32> to vector<16xf32>
          %get3A_307 = arith.index_cast %add3A_254 : i32 to index
          %get3A_308 = arith.constant 48 : index
          %get3A_309 = tpu.vector_load %arg9[%get3A_307, %get3A_308] {strides = array<i32>} : memref<80x128xf32, #tpu.memory_space<vmem>>, vector<1x16xf32>,
          %get3A_310 = vector.shape_cast %get3A_309 : vector<1x16xf32> to vector<16xf32>
          %add3A_311 = arith.addf %get3A_306, %get3A_310 : vector<16xf32>
          %max3A_312 = arith.constant 0.000000e+00 : f32
          %max3A_313 = vector.broadcast %max3A_312 : f32 to vector<16xf32>
          %max3A_314 = arith.maximumf %add3A_311, %max3A_313 : vector<16xf32>
          %swap3A_315 = arith.index_cast %add3A_254 : i32 to index
          %swap3A_316 = arith.constant 48 : index
          %swap3A_317 = tpu.vector_load %arg8[%swap3A_315, %swap3A_316] {strides = array<i32>} : memref<80x128xf32, #tpu.memory_space<vmem>>, vector<1x16xf32>,
          %swap3A_318 = vector.shape_cast %swap3A_317 : vector<1x16xf32> to vector<16xf32>
          %swap3A_319 = vector.shape_cast %max3A_314 : vector<16xf32> to vector<1x16xf32>
          tpu.vector_store %arg8[%swap3A_315, %swap3A_316], %swap3A_319 {strides = array<i32>} : memref<80x128xf32, #tpu.memory_space<vmem>>, vector<1x16xf32>,
          %get3A_320 = arith.index_cast %add3A_254 : i32 to index
          %get3A_321 = arith.constant 64 : index
          %get3A_322 = tpu.vector_load %arg8[%get3A_320, %get3A_321] {strides = array<i32>} : memref<80x128xf32, #tpu.memory_space<vmem>>, vector<1x16xf32>,
          %get3A_323 = vector.shape_cast %get3A_322 : vector<1x16xf32> to vector<16xf32>
          %get3A_324 = arith.index_cast %add3A_254 : i32 to index
          %get3A_325 = arith.constant 64 : index
          %get3A_326 = tpu.vector_load %arg9[%get3A_324, %get3A_325] {strides = array<i32>} : memref<80x128xf32, #tpu.memory_space<vmem>>, vector<1x16xf32>,
          %get3A_327 = vector.shape_cast %get3A_326 : vector<1x16xf32> to vector<16xf32>
          %add3A_328 = arith.addf %get3A_323, %get3A_327 : vector<16xf32>
          %max3A_329 = arith.constant 0.000000e+00 : f32
          %max3A_330 = vector.broadcast %max3A_329 : f32 to vector<16xf32>
          %max3A_331 = arith.maximumf %add3A_328, %max3A_330 : vector<16xf32>
          %swap3A_332 = arith.index_cast %add3A_254 : i32 to index
          %swap3A_333 = arith.constant 64 : index
          %swap3A_334 = tpu.vector_load %arg8[%swap3A_332, %swap3A_333] {strides = array<i32>} : memref<80x128xf32, #tpu.memory_space<vmem>>, vector<1x16xf32>,
          %swap3A_335 = vector.shape_cast %swap3A_334 : vector<1x16xf32> to vector<16xf32>
          %swap3A_336 = vector.shape_cast %max3A_331 : vector<16xf32> to vector<1x16xf32>
          tpu.vector_store %arg8[%swap3A_332, %swap3A_333], %swap3A_336 {strides = array<i32>} : memref<80x128xf32, #tpu.memory_space<vmem>>, vector<1x16xf32>,
          %get3A_337 = arith.index_cast %add3A_254 : i32 to index
          %get3A_338 = arith.constant 80 : index
          %get3A_339 = tpu.vector_load %arg8[%get3A_337, %get3A_338] {strides = array<i32>} : memref<80x128xf32, #tpu.memory_space<vmem>>, vector<1x16xf32>,
          %get3A_340 = vector.shape_cast %get3A_339 : vector<1x16xf32> to vector<16xf32>
          %get3A_341 = arith.index_cast %add3A_254 : i32 to index
          %get3A_342 = arith.constant 80 : index
          %get3A_343 = tpu.vector_load %arg9[%get3A_341, %get3A_342] {strides = array<i32>} : memref<80x128xf32, #tpu.memory_space<vmem>>, vector<1x16xf32>,
          %get3A_344 = vector.shape_cast %get3A_343 : vector<1x16xf32> to vector<16xf32>
          %add3A_345 = arith.addf %get3A_340, %get3A_344 : vector<16xf32>
          %max3A_346 = arith.constant 0.000000e+00 : f32
          %max3A_347 = vector.broadcast %max3A_346 : f32 to vector<16xf32>
          %max3A_348 = arith.maximumf %add3A_345, %max3A_347 : vector<16xf32>
          %swap3A_349 = arith.index_cast %add3A_254 : i32 to index
          %swap3A_350 = arith.constant 80 : index
          %swap3A_351 = tpu.vector_load %arg8[%swap3A_349, %swap3A_350] {strides = array<i32>} : memref<80x128xf32, #tpu.memory_space<vmem>>, vector<1x16xf32>,
          %swap3A_352 = vector.shape_cast %swap3A_351 : vector<1x16xf32> to vector<16xf32>
          %swap3A_353 = vector.shape_cast %max3A_348 : vector<16xf32> to vector<1x16xf32>
          tpu.vector_store %arg8[%swap3A_349, %swap3A_350], %swap3A_353 {strides = array<i32>} : memref<80x128xf32, #tpu.memory_space<vmem>>, vector<1x16xf32>,
          %get3A_354 = arith.index_cast %add3A_254 : i32 to index
          %get3A_355 = arith.constant 96 : index
          %get3A_356 = tpu.vector_load %arg8[%get3A_354, %get3A_355] {strides = array<i32>} : memref<80x128xf32, #tpu.memory_space<vmem>>, vector<1x16xf32>,
          %get3A_357 = vector.shape_cast %get3A_356 : vector<1x16xf32> to vector<16xf32>
          %get3A_358 = arith.index_cast %add3A_254 : i32 to index
          %get3A_359 = arith.constant 96 : index
          %get3A_360 = tpu.vector_load %arg9[%get3A_358, %get3A_359] {strides = array<i32>} : memref<80x128xf32, #tpu.memory_space<vmem>>, vector<1x16xf32>,
          %get3A_361 = vector.shape_cast %get3A_360 : vector<1x16xf32> to vector<16xf32>
          %add3A_362 = arith.addf %get3A_357, %get3A_361 : vector<16xf32>
          %max3A_363 = arith.constant 0.000000e+00 : f32
          %max3A_364 = vector.broadcast %max3A_363 : f32 to vector<16xf32>
          %max3A_365 = arith.maximumf %add3A_362, %max3A_364 : vector<16xf32>
          %swap3A_366 = arith.index_cast %add3A_254 : i32 to index
          %swap3A_367 = arith.constant 96 : index
          %swap3A_368 = tpu.vector_load %arg8[%swap3A_366, %swap3A_367] {strides = array<i32>} : memref<80x128xf32, #tpu.memory_space<vmem>>, vector<1x16xf32>,
          %swap3A_369 = vector.shape_cast %swap3A_368 : vector<1x16xf32> to vector<16xf32>
          %swap3A_370 = vector.shape_cast %max3A_365 : vector<16xf32> to vector<1x16xf32>
          tpu.vector_store %arg8[%swap3A_366, %swap3A_367], %swap3A_370 {strides = array<i32>} : memref<80x128xf32, #tpu.memory_space<vmem>>, vector<1x16xf32>,
          %get3A_371 = arith.index_cast %add3A_254 : i32 to index
          %get3A_372 = arith.constant 112 : index
          %get3A_373 = tpu.vector_load %arg8[%get3A_371, %get3A_372] {strides = array<i32>} : memref<80x128xf32, #tpu.memory_space<vmem>>, vector<1x16xf32>,
          %get3A_374 = vector.shape_cast %get3A_373 : vector<1x16xf32> to vector<16xf32>
          %get3A_375 = arith.index_cast %add3A_254 : i32 to index
          %get3A_376 = arith.constant 112 : index
          %get3A_377 = tpu.vector_load %arg9[%get3A_375, %get3A_376] {strides = array<i32>} : memref<80x128xf32, #tpu.memory_space<vmem>>, vector<1x16xf32>,
          %get3A_378 = vector.shape_cast %get3A_377 : vector<1x16xf32> to vector<16xf32>
          %add3A_379 = arith.addf %get3A_374, %get3A_378 : vector<16xf32>
          %max3A_380 = arith.constant 0.000000e+00 : f32
          %max3A_381 = vector.broadcast %max3A_380 : f32 to vector<16xf32>
          %max3A_382 = arith.maximumf %add3A_379, %max3A_381 : vector<16xf32>
          %swap3A_383 = arith.index_cast %add3A_254 : i32 to index
          %swap3A_384 = arith.constant 112 : index
          %swap3A_385 = tpu.vector_load %arg8[%swap3A_383, %swap3A_384] {strides = array<i32>} : memref<80x128xf32, #tpu.memory_space<vmem>>, vector<1x16xf32>,
          %swap3A_386 = vector.shape_cast %swap3A_385 : vector<1x16xf32> to vector<16xf32>
          %swap3A_387 = vector.shape_cast %max3A_382 : vector<16xf32> to vector<1x16xf32>
          tpu.vector_store %arg8[%swap3A_383, %swap3A_384], %swap3A_387 {strides = array<i32>} : memref<80x128xf32, #tpu.memory_space<vmem>>, vector<1x16xf32>,
        }
        %scan3A_244 = arith.constant 80 : i32
        %mul3A_245 = arith.constant 3 : i32
        %mul3A_246 = arith.muli %mul3A_245, %add3A_211 : i32
        %add3A_247 = arith.constant 2 : i32
        %add3A_248 = arith.addi %mul3A_246, %add3A_247 : i32
        %run_scoped3A_249 = arith.constant 0 : i32
        "tpu.region"() ({
          %run_scoped3A_250 = tpu.sem_alloc : memref<!tpu.dma_semaphore, #tpu.memory_space<semaphore_mem>>
          %dma_start3A_251 = arith.constant 0 : i32
          %dma_start3A_252 = arith.constant 0 : i32
          %dma_start3A_253 = tpu.memref_slice %arg10[%add3A_248, %dma_start3A_251, %dma_start3A_252] : memref<75x1x80xi32, #tpu.memory_space<vmem>> -> memref<1x1x80xi32, #tpu.memory_space<vmem>>
          %dma_start3A_254 = tpu.memref_squeeze %dma_start3A_253 : memref<1x1x80xi32, #tpu.memory_space<vmem>> -> memref<1x80xi32, #tpu.memory_space<vmem>>
          %dma_start3A_255 = arith.constant 0 : i32
          %dma_start3A_256 = tpu.memref_slice %dma_start3A_254[%run_scoped3A_249, %dma_start3A_255] : memref<1x80xi32, #tpu.memory_space<vmem>> -> memref<1x80xi32, #tpu.memory_space<vmem>>
          %dma_start3A_257 = tpu.memref_squeeze %dma_start3A_256 : memref<1x80xi32, #tpu.memory_space<vmem>> -> memref<80xi32, #tpu.memory_space<vmem>>
          %dma_start3A_258 = arith.constant 0 : i32
          %dma_start3A_259 = arith.constant 0 : i32
          %dma_start3A_260 = tpu.memref_slice %arg11[%dma_start3A_258, %dma_start3A_259] : memref<10000x128xf32, #tpu.memory_space<vmem_shared>> -> memref<10000x128xf32, #tpu.memory_space<vmem_shared>>
          tpu.enqueue_indirect_dma source(%arg8 : memref<80x128xf32, #tpu.memory_space<vmem>>) target(%dma_start3A_260 : memref<10000x128xf32, #tpu.memory_space<vmem_shared>>) offsets(%dma_start3A_257 : memref<80xi32, #tpu.memory_space<vmem>>) semaphore(%run_scoped3A_250 : memref<!tpu.dma_semaphore, #tpu.memory_space<semaphore_mem>>) {add = true}
          %dma_wait3A_261 = arith.constant 0 : i32
          %dma_wait3A_262 = arith.constant 0 : i32
          %dma_wait3A_263 = tpu.memref_slice %arg10[%add3A_248, %dma_wait3A_261, %dma_wait3A_262] : memref<75x1x80xi32, #tpu.memory_space<vmem>> -> memref<1x1x80xi32, #tpu.memory_space<vmem>>
          %dma_wait3A_264 = tpu.memref_squeeze %dma_wait3A_263 : memref<1x1x80xi32, #tpu.memory_space<vmem>> -> memref<1x80xi32, #tpu.memory_space<vmem>>
          %dma_wait3A_265 = arith.constant 0 : i32
          %dma_wait3A_266 = tpu.memref_slice %dma_wait3A_264[%run_scoped3A_249, %dma_wait3A_265] : memref<1x80xi32, #tpu.memory_space<vmem>> -> memref<1x80xi32, #tpu.memory_space<vmem>>
          %dma_wait3A_267 = tpu.memref_squeeze %dma_wait3A_266 : memref<1x80xi32, #tpu.memory_space<vmem>> -> memref<80xi32, #tpu.memory_space<vmem>>
          %dma_wait3A_268 = arith.constant 0 : i32
          %dma_wait3A_269 = arith.constant 0 : i32
          %dma_wait3A_270 = tpu.memref_slice %arg11[%dma_wait3A_268, %dma_wait3A_269] : memref<10000x128xf32, #tpu.memory_space<vmem_shared>> -> memref<10000x128xf32, #tpu.memory_space<vmem_shared>>
          tpu.wait_indirect_dma semaphore(%run_scoped3A_250 : memref<!tpu.dma_semaphore, #tpu.memory_space<semaphore_mem>>) src(%arg8 : memref<80x128xf32, #tpu.memory_space<vmem>>) dst(%dma_wait3A_270 : memref<10000x128xf32, #tpu.memory_space<vmem_shared>>)
          tpu.yield
        }) : () -> ()
      }
      %scan3A_75 = arith.constant 12 : i32
      %dma_wait3A = arith.constant 72 : i32
      %dma_wait3A_76 = arith.constant 0 : i32
      %dma_wait3A_77 = arith.constant 0 : i32
      %dma_wait3A_78 = arith.constant 0 : i32
      %dma_wait3A_79 = tpu.memref_slice %arg10[%dma_wait3A, %dma_wait3A_77, %dma_wait3A_78] : memref<75x1x80xi32, #tpu.memory_space<vmem>> -> memref<1x1x80xi32, #tpu.memory_space<vmem>>
      %dma_wait3A_80 = tpu.memref_squeeze %dma_wait3A_79 : memref<1x1x80xi32, #tpu.memory_space<vmem>> -> memref<1x80xi32, #tpu.memory_space<vmem>>
      %dma_wait3A_81 = arith.constant 0 : i32
      %dma_wait3A_82 = tpu.memref_slice %dma_wait3A_80[%dma_wait3A_76, %dma_wait3A_81] : memref<1x80xi32, #tpu.memory_space<vmem>> -> memref<1x80xi32, #tpu.memory_space<vmem>>
      %dma_wait3A_83 = tpu.memref_squeeze %dma_wait3A_82 : memref<1x80xi32, #tpu.memory_space<vmem>> -> memref<80xi32, #tpu.memory_space<vmem>>
      %dma_wait3A_84 = arith.constant 0 : i32
      %dma_wait3A_85 = arith.constant 0 : i32
      %dma_wait3A_86 = tpu.memref_slice %arg2[%dma_wait3A_84, %dma_wait3A_85] : memref<20000x128xf32, #tpu.memory_space<hbm>> -> memref<20000x128xf32, #tpu.memory_space<hbm>>
      tpu.wait_indirect_dma semaphore(%arg12 : memref<!tpu.dma_semaphore, #tpu.memory_space<semaphore_mem>>) src(%dma_wait3A_86 : memref<20000x128xf32, #tpu.memory_space<hbm>>) dst(%arg6 : memref<80x128xf32, #tpu.memory_space<vmem>>)
      %dma_wait3A_87 = arith.constant 73 : i32
      %dma_wait3A_88 = arith.constant 0 : i32
      %dma_wait3A_89 = arith.constant 0 : i32
      %dma_wait3A_90 = arith.constant 0 : i32
      %dma_wait3A_91 = tpu.memref_slice %arg10[%dma_wait3A_87, %dma_wait3A_89, %dma_wait3A_90] : memref<75x1x80xi32, #tpu.memory_space<vmem>> -> memref<1x1x80xi32, #tpu.memory_space<vmem>>
      %dma_wait3A_92 = tpu.memref_squeeze %dma_wait3A_91 : memref<1x1x80xi32, #tpu.memory_space<vmem>> -> memref<1x80xi32, #tpu.memory_space<vmem>>
      %dma_wait3A_93 = arith.constant 0 : i32
      %dma_wait3A_94 = tpu.memref_slice %dma_wait3A_92[%dma_wait3A_88, %dma_wait3A_93] : memref<1x80xi32, #tpu.memory_space<vmem>> -> memref<1x80xi32, #tpu.memory_space<vmem>>
      %dma_wait3A_95 = tpu.memref_squeeze %dma_wait3A_94 : memref<1x80xi32, #tpu.memory_space<vmem>> -> memref<80xi32, #tpu.memory_space<vmem>>
      %dma_wait3A_96 = arith.constant 0 : i32
      %dma_wait3A_97 = arith.constant 0 : i32
      %dma_wait3A_98 = tpu.memref_slice %arg3[%dma_wait3A_96, %dma_wait3A_97] : memref<20000x128xf32, #tpu.memory_space<hbm>> -> memref<20000x128xf32, #tpu.memory_space<hbm>>
      tpu.wait_indirect_dma semaphore(%arg13 : memref<!tpu.dma_semaphore, #tpu.memory_space<semaphore_mem>>) src(%dma_wait3A_98 : memref<20000x128xf32, #tpu.memory_space<hbm>>) dst(%arg7 : memref<80x128xf32, #tpu.memory_space<vmem>>)
      %scan3A_99 = arith.constant 0 : i32
      %scan3A_100 = arith.constant 80 : i32
      %scan3A_101 = arith.addi %scan3A_99, %scan3A_100 : i32
      %scan3A_102 = arith.constant 1 : i32
      scf.for %scan3A_105 = %scan3A_99 to %scan3A_101 step %scan3A_102  : i32 {
        %mul3A_106 = arith.constant 1 : i32
        %mul3A_107 = arith.muli %scan3A_105, %mul3A_106 : i32
        %add3A_108 = arith.constant 0 : i32
        %add3A_109 = arith.addi %add3A_108, %mul3A_107 : i32
        %get3A = arith.index_cast %add3A_109 : i32 to index
        %get3A_110 = arith.constant 0 : index
        %get3A_111 = tpu.vector_load %arg6[%get3A, %get3A_110] {strides = array<i32>} : memref<80x128xf32, #tpu.memory_space<vmem>>, vector<1x16xf32>,
        %get3A_112 = vector.shape_cast %get3A_111 : vector<1x16xf32> to vector<16xf32>
        %get3A_113 = arith.index_cast %add3A_109 : i32 to index
        %get3A_114 = arith.constant 0 : index
        %get3A_115 = tpu.vector_load %arg7[%get3A_113, %get3A_114] {strides = array<i32>} : memref<80x128xf32, #tpu.memory_space<vmem>>, vector<1x16xf32>,
        %get3A_116 = vector.shape_cast %get3A_115 : vector<1x16xf32> to vector<16xf32>
        %add3A_117 = arith.addf %get3A_112, %get3A_116 : vector<16xf32>
        %max3A = arith.constant 0.000000e+00 : f32
        %max3A_118 = vector.broadcast %max3A : f32 to vector<16xf32>
        %max3A_119 = arith.maximumf %add3A_117, %max3A_118 : vector<16xf32>
        %swap3A = arith.index_cast %add3A_109 : i32 to index
        %swap3A_120 = arith.constant 0 : index
        %swap3A_121 = tpu.vector_load %arg6[%swap3A, %swap3A_120] {strides = array<i32>} : memref<80x128xf32, #tpu.memory_space<vmem>>, vector<1x16xf32>,
        %swap3A_122 = vector.shape_cast %swap3A_121 : vector<1x16xf32> to vector<16xf32>
        %swap3A_123 = vector.shape_cast %max3A_119 : vector<16xf32> to vector<1x16xf32>
        tpu.vector_store %arg6[%swap3A, %swap3A_120], %swap3A_123 {strides = array<i32>} : memref<80x128xf32, #tpu.memory_space<vmem>>, vector<1x16xf32>,
        %get3A_124 = arith.index_cast %add3A_109 : i32 to index
        %get3A_125 = arith.constant 16 : index
        %get3A_126 = tpu.vector_load %arg6[%get3A_124, %get3A_125] {strides = array<i32>} : memref<80x128xf32, #tpu.memory_space<vmem>>, vector<1x16xf32>,
        %get3A_127 = vector.shape_cast %get3A_126 : vector<1x16xf32> to vector<16xf32>
        %get3A_128 = arith.index_cast %add3A_109 : i32 to index
        %get3A_129 = arith.constant 16 : index
        %get3A_130 = tpu.vector_load %arg7[%get3A_128, %get3A_129] {strides = array<i32>} : memref<80x128xf32, #tpu.memory_space<vmem>>, vector<1x16xf32>,
        %get3A_131 = vector.shape_cast %get3A_130 : vector<1x16xf32> to vector<16xf32>
        %add3A_132 = arith.addf %get3A_127, %get3A_131 : vector<16xf32>
        %max3A_133 = arith.constant 0.000000e+00 : f32
        %max3A_134 = vector.broadcast %max3A_133 : f32 to vector<16xf32>
        %max3A_135 = arith.maximumf %add3A_132, %max3A_134 : vector<16xf32>
        %swap3A_136 = arith.index_cast %add3A_109 : i32 to index
        %swap3A_137 = arith.constant 16 : index
        %swap3A_138 = tpu.vector_load %arg6[%swap3A_136, %swap3A_137] {strides = array<i32>} : memref<80x128xf32, #tpu.memory_space<vmem>>, vector<1x16xf32>,
        %swap3A_139 = vector.shape_cast %swap3A_138 : vector<1x16xf32> to vector<16xf32>
        %swap3A_140 = vector.shape_cast %max3A_135 : vector<16xf32> to vector<1x16xf32>
        tpu.vector_store %arg6[%swap3A_136, %swap3A_137], %swap3A_140 {strides = array<i32>} : memref<80x128xf32, #tpu.memory_space<vmem>>, vector<1x16xf32>,
        %get3A_141 = arith.index_cast %add3A_109 : i32 to index
        %get3A_142 = arith.constant 32 : index
        %get3A_143 = tpu.vector_load %arg6[%get3A_141, %get3A_142] {strides = array<i32>} : memref<80x128xf32, #tpu.memory_space<vmem>>, vector<1x16xf32>,
        %get3A_144 = vector.shape_cast %get3A_143 : vector<1x16xf32> to vector<16xf32>
        %get3A_145 = arith.index_cast %add3A_109 : i32 to index
        %get3A_146 = arith.constant 32 : index
        %get3A_147 = tpu.vector_load %arg7[%get3A_145, %get3A_146] {strides = array<i32>} : memref<80x128xf32, #tpu.memory_space<vmem>>, vector<1x16xf32>,
        %get3A_148 = vector.shape_cast %get3A_147 : vector<1x16xf32> to vector<16xf32>
        %add3A_149 = arith.addf %get3A_144, %get3A_148 : vector<16xf32>
        %max3A_150 = arith.constant 0.000000e+00 : f32
        %max3A_151 = vector.broadcast %max3A_150 : f32 to vector<16xf32>
        %max3A_152 = arith.maximumf %add3A_149, %max3A_151 : vector<16xf32>
        %swap3A_153 = arith.index_cast %add3A_109 : i32 to index
        %swap3A_154 = arith.constant 32 : index
        %swap3A_155 = tpu.vector_load %arg6[%swap3A_153, %swap3A_154] {strides = array<i32>} : memref<80x128xf32, #tpu.memory_space<vmem>>, vector<1x16xf32>,
        %swap3A_156 = vector.shape_cast %swap3A_155 : vector<1x16xf32> to vector<16xf32>
        %swap3A_157 = vector.shape_cast %max3A_152 : vector<16xf32> to vector<1x16xf32>
        tpu.vector_store %arg6[%swap3A_153, %swap3A_154], %swap3A_157 {strides = array<i32>} : memref<80x128xf32, #tpu.memory_space<vmem>>, vector<1x16xf32>,
        %get3A_158 = arith.index_cast %add3A_109 : i32 to index
        %get3A_159 = arith.constant 48 : index
        %get3A_160 = tpu.vector_load %arg6[%get3A_158, %get3A_159] {strides = array<i32>} : memref<80x128xf32, #tpu.memory_space<vmem>>, vector<1x16xf32>,
        %get3A_161 = vector.shape_cast %get3A_160 : vector<1x16xf32> to vector<16xf32>
        %get3A_162 = arith.index_cast %add3A_109 : i32 to index
        %get3A_163 = arith.constant 48 : index
        %get3A_164 = tpu.vector_load %arg7[%get3A_162, %get3A_163] {strides = array<i32>} : memref<80x128xf32, #tpu.memory_space<vmem>>, vector<1x16xf32>,
        %get3A_165 = vector.shape_cast %get3A_164 : vector<1x16xf32> to vector<16xf32>
        %add3A_166 = arith.addf %get3A_161, %get3A_165 : vector<16xf32>
        %max3A_167 = arith.constant 0.000000e+00 : f32
        %max3A_168 = vector.broadcast %max3A_167 : f32 to vector<16xf32>
        %max3A_169 = arith.maximumf %add3A_166, %max3A_168 : vector<16xf32>
        %swap3A_170 = arith.index_cast %add3A_109 : i32 to index
        %swap3A_171 = arith.constant 48 : index
        %swap3A_172 = tpu.vector_load %arg6[%swap3A_170, %swap3A_171] {strides = array<i32>} : memref<80x128xf32, #tpu.memory_space<vmem>>, vector<1x16xf32>,
        %swap3A_173 = vector.shape_cast %swap3A_172 : vector<1x16xf32> to vector<16xf32>
        %swap3A_174 = vector.shape_cast %max3A_169 : vector<16xf32> to vector<1x16xf32>
        tpu.vector_store %arg6[%swap3A_170, %swap3A_171], %swap3A_174 {strides = array<i32>} : memref<80x128xf32, #tpu.memory_space<vmem>>, vector<1x16xf32>,
        %get3A_175 = arith.index_cast %add3A_109 : i32 to index
        %get3A_176 = arith.constant 64 : index
        %get3A_177 = tpu.vector_load %arg6[%get3A_175, %get3A_176] {strides = array<i32>} : memref<80x128xf32, #tpu.memory_space<vmem>>, vector<1x16xf32>,
        %get3A_178 = vector.shape_cast %get3A_177 : vector<1x16xf32> to vector<16xf32>
        %get3A_179 = arith.index_cast %add3A_109 : i32 to index
        %get3A_180 = arith.constant 64 : index
        %get3A_181 = tpu.vector_load %arg7[%get3A_179, %get3A_180] {strides = array<i32>} : memref<80x128xf32, #tpu.memory_space<vmem>>, vector<1x16xf32>,
        %get3A_182 = vector.shape_cast %get3A_181 : vector<1x16xf32> to vector<16xf32>
        %add3A_183 = arith.addf %get3A_178, %get3A_182 : vector<16xf32>
        %max3A_184 = arith.constant 0.000000e+00 : f32
        %max3A_185 = vector.broadcast %max3A_184 : f32 to vector<16xf32>
        %max3A_186 = arith.maximumf %add3A_183, %max3A_185 : vector<16xf32>
        %swap3A_187 = arith.index_cast %add3A_109 : i32 to index
        %swap3A_188 = arith.constant 64 : index
        %swap3A_189 = tpu.vector_load %arg6[%swap3A_187, %swap3A_188] {strides = array<i32>} : memref<80x128xf32, #tpu.memory_space<vmem>>, vector<1x16xf32>,
        %swap3A_190 = vector.shape_cast %swap3A_189 : vector<1x16xf32> to vector<16xf32>
        %swap3A_191 = vector.shape_cast %max3A_186 : vector<16xf32> to vector<1x16xf32>
        tpu.vector_store %arg6[%swap3A_187, %swap3A_188], %swap3A_191 {strides = array<i32>} : memref<80x128xf32, #tpu.memory_space<vmem>>, vector<1x16xf32>,
        %get3A_192 = arith.index_cast %add3A_109 : i32 to index
        %get3A_193 = arith.constant 80 : index
        %get3A_194 = tpu.vector_load %arg6[%get3A_192, %get3A_193] {strides = array<i32>} : memref<80x128xf32, #tpu.memory_space<vmem>>, vector<1x16xf32>,
        %get3A_195 = vector.shape_cast %get3A_194 : vector<1x16xf32> to vector<16xf32>
        %get3A_196 = arith.index_cast %add3A_109 : i32 to index
        %get3A_197 = arith.constant 80 : index
        %get3A_198 = tpu.vector_load %arg7[%get3A_196, %get3A_197] {strides = array<i32>} : memref<80x128xf32, #tpu.memory_space<vmem>>, vector<1x16xf32>,
        %get3A_199 = vector.shape_cast %get3A_198 : vector<1x16xf32> to vector<16xf32>
        %add3A_200 = arith.addf %get3A_195, %get3A_199 : vector<16xf32>
        %max3A_201 = arith.constant 0.000000e+00 : f32
        %max3A_202 = vector.broadcast %max3A_201 : f32 to vector<16xf32>
        %max3A_203 = arith.maximumf %add3A_200, %max3A_202 : vector<16xf32>
        %swap3A_204 = arith.index_cast %add3A_109 : i32 to index
        %swap3A_205 = arith.constant 80 : index
        %swap3A_206 = tpu.vector_load %arg6[%swap3A_204, %swap3A_205] {strides = array<i32>} : memref<80x128xf32, #tpu.memory_space<vmem>>, vector<1x16xf32>,
        %swap3A_207 = vector.shape_cast %swap3A_206 : vector<1x16xf32> to vector<16xf32>
        %swap3A_208 = vector.shape_cast %max3A_203 : vector<16xf32> to vector<1x16xf32>
        tpu.vector_store %arg6[%swap3A_204, %swap3A_205], %swap3A_208 {strides = array<i32>} : memref<80x128xf32, #tpu.memory_space<vmem>>, vector<1x16xf32>,
        %get3A_209 = arith.index_cast %add3A_109 : i32 to index
        %get3A_210 = arith.constant 96 : index
        %get3A_211 = tpu.vector_load %arg6[%get3A_209, %get3A_210] {strides = array<i32>} : memref<80x128xf32, #tpu.memory_space<vmem>>, vector<1x16xf32>,
        %get3A_212 = vector.shape_cast %get3A_211 : vector<1x16xf32> to vector<16xf32>
        %get3A_213 = arith.index_cast %add3A_109 : i32 to index
        %get3A_214 = arith.constant 96 : index
        %get3A_215 = tpu.vector_load %arg7[%get3A_213, %get3A_214] {strides = array<i32>} : memref<80x128xf32, #tpu.memory_space<vmem>>, vector<1x16xf32>,
        %get3A_216 = vector.shape_cast %get3A_215 : vector<1x16xf32> to vector<16xf32>
        %add3A_217 = arith.addf %get3A_212, %get3A_216 : vector<16xf32>
        %max3A_218 = arith.constant 0.000000e+00 : f32
        %max3A_219 = vector.broadcast %max3A_218 : f32 to vector<16xf32>
        %max3A_220 = arith.maximumf %add3A_217, %max3A_219 : vector<16xf32>
        %swap3A_221 = arith.index_cast %add3A_109 : i32 to index
        %swap3A_222 = arith.constant 96 : index
        %swap3A_223 = tpu.vector_load %arg6[%swap3A_221, %swap3A_222] {strides = array<i32>} : memref<80x128xf32, #tpu.memory_space<vmem>>, vector<1x16xf32>,
        %swap3A_224 = vector.shape_cast %swap3A_223 : vector<1x16xf32> to vector<16xf32>
        %swap3A_225 = vector.shape_cast %max3A_220 : vector<16xf32> to vector<1x16xf32>
        tpu.vector_store %arg6[%swap3A_221, %swap3A_222], %swap3A_225 {strides = array<i32>} : memref<80x128xf32, #tpu.memory_space<vmem>>, vector<1x16xf32>,
        %get3A_226 = arith.index_cast %add3A_109 : i32 to index
        %get3A_227 = arith.constant 112 : index
        %get3A_228 = tpu.vector_load %arg6[%get3A_226, %get3A_227] {strides = array<i32>} : memref<80x128xf32, #tpu.memory_space<vmem>>, vector<1x16xf32>,
        %get3A_229 = vector.shape_cast %get3A_228 : vector<1x16xf32> to vector<16xf32>
        %get3A_230 = arith.index_cast %add3A_109 : i32 to index
        %get3A_231 = arith.constant 112 : index
        %get3A_232 = tpu.vector_load %arg7[%get3A_230, %get3A_231] {strides = array<i32>} : memref<80x128xf32, #tpu.memory_space<vmem>>, vector<1x16xf32>,
        %get3A_233 = vector.shape_cast %get3A_232 : vector<1x16xf32> to vector<16xf32>
        %add3A_234 = arith.addf %get3A_229, %get3A_233 : vector<16xf32>
        %max3A_235 = arith.constant 0.000000e+00 : f32
        %max3A_236 = vector.broadcast %max3A_235 : f32 to vector<16xf32>
        %max3A_237 = arith.maximumf %add3A_234, %max3A_236 : vector<16xf32>
        %swap3A_238 = arith.index_cast %add3A_109 : i32 to index
        %swap3A_239 = arith.constant 112 : index
        %swap3A_240 = tpu.vector_load %arg6[%swap3A_238, %swap3A_239] {strides = array<i32>} : memref<80x128xf32, #tpu.memory_space<vmem>>, vector<1x16xf32>,
        %swap3A_241 = vector.shape_cast %swap3A_240 : vector<1x16xf32> to vector<16xf32>
        %swap3A_242 = vector.shape_cast %max3A_237 : vector<16xf32> to vector<1x16xf32>
        tpu.vector_store %arg6[%swap3A_238, %swap3A_239], %swap3A_242 {strides = array<i32>} : memref<80x128xf32, #tpu.memory_space<vmem>>, vector<1x16xf32>,
      }
      %scan3A_103 = arith.constant 80 : i32
      %run_scoped3A = arith.constant 74 : i32
      %run_scoped3A_104 = arith.constant 0 : i32
      "tpu.region"() ({
        %run_scoped3A_105 = tpu.sem_alloc : memref<!tpu.dma_semaphore, #tpu.memory_space<semaphore_mem>>
        %dma_start3A_106 = arith.constant 0 : i32
        %dma_start3A_107 = arith.constant 0 : i32
        %dma_start3A_108 = tpu.memref_slice %arg10[%run_scoped3A, %dma_start3A_106, %dma_start3A_107] : memref<75x1x80xi32, #tpu.memory_space<vmem>> -> memref<1x1x80xi32, #tpu.memory_space<vmem>>
        %dma_start3A_109 = tpu.memref_squeeze %dma_start3A_108 : memref<1x1x80xi32, #tpu.memory_space<vmem>> -> memref<1x80xi32, #tpu.memory_space<vmem>>
        %dma_start3A_110 = arith.constant 0 : i32
        %dma_start3A_111 = tpu.memref_slice %dma_start3A_109[%run_scoped3A_104, %dma_start3A_110] : memref<1x80xi32, #tpu.memory_space<vmem>> -> memref<1x80xi32, #tpu.memory_space<vmem>>
        %dma_start3A_112 = tpu.memref_squeeze %dma_start3A_111 : memref<1x80xi32, #tpu.memory_space<vmem>> -> memref<80xi32, #tpu.memory_space<vmem>>
        %dma_start3A_113 = arith.constant 0 : i32
        %dma_start3A_114 = arith.constant 0 : i32
        %dma_start3A_115 = tpu.memref_slice %arg11[%dma_start3A_113, %dma_start3A_114] : memref<10000x128xf32, #tpu.memory_space<vmem_shared>> -> memref<10000x128xf32, #tpu.memory_space<vmem_shared>>
        tpu.enqueue_indirect_dma source(%arg6 : memref<80x128xf32, #tpu.memory_space<vmem>>) target(%dma_start3A_115 : memref<10000x128xf32, #tpu.memory_space<vmem_shared>>) offsets(%dma_start3A_112 : memref<80xi32, #tpu.memory_space<vmem>>) semaphore(%run_scoped3A_105 : memref<!tpu.dma_semaphore, #tpu.memory_space<semaphore_mem>>) {add = true}
        %dma_wait3A_116 = arith.constant 0 : i32
        %dma_wait3A_117 = arith.constant 0 : i32
        %dma_wait3A_118 = tpu.memref_slice %arg10[%run_scoped3A, %dma_wait3A_116, %dma_wait3A_117] : memref<75x1x80xi32, #tpu.memory_space<vmem>> -> memref<1x1x80xi32, #tpu.memory_space<vmem>>
        %dma_wait3A_119 = tpu.memref_squeeze %dma_wait3A_118 : memref<1x1x80xi32, #tpu.memory_space<vmem>> -> memref<1x80xi32, #tpu.memory_space<vmem>>
        %dma_wait3A_120 = arith.constant 0 : i32
        %dma_wait3A_121 = tpu.memref_slice %dma_wait3A_119[%run_scoped3A_104, %dma_wait3A_120] : memref<1x80xi32, #tpu.memory_space<vmem>> -> memref<1x80xi32, #tpu.memory_space<vmem>>
        %dma_wait3A_122 = tpu.memref_squeeze %dma_wait3A_121 : memref<1x80xi32, #tpu.memory_space<vmem>> -> memref<80xi32, #tpu.memory_space<vmem>>
        %dma_wait3A_123 = arith.constant 0 : i32
        %dma_wait3A_124 = arith.constant 0 : i32
        %dma_wait3A_125 = tpu.memref_slice %arg11[%dma_wait3A_123, %dma_wait3A_124] : memref<10000x128xf32, #tpu.memory_space<vmem_shared>> -> memref<10000x128xf32, #tpu.memory_space<vmem_shared>>
        tpu.wait_indirect_dma semaphore(%run_scoped3A_105 : memref<!tpu.dma_semaphore, #tpu.memory_space<semaphore_mem>>) src(%arg6 : memref<80x128xf32, #tpu.memory_space<vmem>>) dst(%dma_wait3A_125 : memref<10000x128xf32, #tpu.memory_space<vmem_shared>>)
        tpu.yield
      }) : () -> ()
    }
    %scan3A_27 = arith.constant 5 : i32
    %barrier3A_28 = arith.constant 0 : index
    tpu.barrier barrier_id(%barrier3A_28)
    %mul3A_29 = arith.constant 10000 : i32
    %mul3A_30 = arith.muli %arg0, %mul3A_29 : i32
    %add3A_31 = arith.addi %mul3A_30, %mul3A_0 : i32
    "tpu.region"() ({
      %run_scoped3A = tpu.sem_alloc : memref<!tpu.dma_semaphore, #tpu.memory_space<semaphore_mem>>
      %dma_start3A = arith.constant 0 : i32
      %dma_start3A_37 = tpu.memref_slice %arg5[%add3A_31, %dma_start3A] : memref<20000x128xf32, #tpu.memory_space<hbm>> -> memref<624x128xf32, #tpu.memory_space<hbm>>
      %dma_start3A_38 = arith.constant 0 : i32
      %dma_start3A_39 = tpu.memref_slice %arg11[%mul3A_0, %dma_start3A_38] : memref<10000x128xf32, #tpu.memory_space<vmem_shared>> -> memref<624x128xf32, #tpu.memory_space<vmem_shared>>
      tpu.enqueue_dma source(%dma_start3A_39 : memref<624x128xf32, #tpu.memory_space<vmem_shared>>) target(%dma_start3A_37 : memref<624x128xf32, #tpu.memory_space<hbm>>) target_semaphore(%run_scoped3A : memref<!tpu.dma_semaphore, #tpu.memory_space<semaphore_mem>>)
      %dma_wait3A = arith.constant 0 : i32
      %dma_wait3A_40 = tpu.memref_slice %arg5[%add3A_31, %dma_wait3A] : memref<20000x128xf32, #tpu.memory_space<hbm>> -> memref<624x128xf32, #tpu.memory_space<hbm>>
      %dma_wait3A_41 = arith.constant 0 : i32
      %dma_wait3A_42 = tpu.memref_slice %arg11[%mul3A_0, %dma_wait3A_41] : memref<10000x128xf32, #tpu.memory_space<vmem_shared>> -> memref<624x128xf32, #tpu.memory_space<vmem_shared>>
      tpu.wait_dma2 semaphore(%run_scoped3A : memref<!tpu.dma_semaphore, #tpu.memory_space<semaphore_mem>>) src(%dma_wait3A_42 : memref<624x128xf32, #tpu.memory_space<vmem_shared>>) dst(%dma_wait3A_40 : memref<624x128xf32, #tpu.memory_space<hbm>>)
      tpu.yield
    }) : () -> ()
    %eq3A_32 = arith.constant 15 : i32
    %eq3A_33 = arith.cmpi eq, %arg1, %eq3A_32 : i32
    %convert_element_type3A_34 = arith.extui %eq3A_33 : i1 to i32
    %cond3A_35 = arith.constant 0 : i32
    %cond3A_36 = arith.cmpi ne, %convert_element_type3A_34, %cond3A_35 : i32
    scf.if %cond3A_36 {
      %mul3A_37 = arith.constant 10000 : i32
      %mul3A_38 = arith.muli %arg0, %mul3A_37 : i32
      %add3A_39 = arith.constant 9984 : i32
      %add3A_40 = arith.addi %mul3A_38, %add3A_39 : i32
      "tpu.region"() ({
        %run_scoped3A = tpu.sem_alloc : memref<!tpu.dma_semaphore, #tpu.memory_space<semaphore_mem>>
        %dma_start3A = arith.constant 0 : i32
        %dma_start3A_41 = tpu.memref_slice %arg5[%add3A_40, %dma_start3A] : memref<20000x128xf32, #tpu.memory_space<hbm>> -> memref<16x128xf32, #tpu.memory_space<hbm>>
        %dma_start3A_42 = arith.constant 9984 : i32
        %dma_start3A_43 = arith.constant 0 : i32
        %dma_start3A_44 = tpu.memref_slice %arg11[%dma_start3A_42, %dma_start3A_43] : memref<10000x128xf32, #tpu.memory_space<vmem_shared>> -> memref<16x128xf32, #tpu.memory_space<vmem_shared>>
        tpu.enqueue_dma source(%dma_start3A_44 : memref<16x128xf32, #tpu.memory_space<vmem_shared>>) target(%dma_start3A_41 : memref<16x128xf32, #tpu.memory_space<hbm>>) target_semaphore(%run_scoped3A : memref<!tpu.dma_semaphore, #tpu.memory_space<semaphore_mem>>)
        %dma_wait3A = arith.constant 0 : i32
        %dma_wait3A_45 = tpu.memref_slice %arg5[%add3A_40, %dma_wait3A] : memref<20000x128xf32, #tpu.memory_space<hbm>> -> memref<16x128xf32, #tpu.memory_space<hbm>>
        %dma_wait3A_46 = arith.constant 9984 : i32
        %dma_wait3A_47 = arith.constant 0 : i32
        %dma_wait3A_48 = tpu.memref_slice %arg11[%dma_wait3A_46, %dma_wait3A_47] : memref<10000x128xf32, #tpu.memory_space<vmem_shared>> -> memref<16x128xf32, #tpu.memory_space<vmem_shared>>
        tpu.wait_dma2 semaphore(%run_scoped3A : memref<!tpu.dma_semaphore, #tpu.memory_space<semaphore_mem>>) src(%dma_wait3A_48 : memref<16x128xf32, #tpu.memory_space<vmem_shared>>) dst(%dma_wait3A_45 : memref<16x128xf32, #tpu.memory_space<hbm>>)
        tpu.yield
      }) : () -> ()
    } else {
    }
    return
  }
}

module attributes {stable_mosaic.version = 14 : i64} {
  func.func @body(%arg0: i32, %arg1: memref<1000x256xf32, #tpu.memory_space<vmem>>, %arg2: memref<256x256xf32, #tpu.memory_space<vmem>>, %arg3: memref<256x256xf32, #tpu.memory_space<vmem>>, %arg4: memref<1x256xf32, #tpu.memory_space<vmem>>, %arg5: memref<256x256xf32, #tpu.memory_space<vmem>>, %arg6: memref<1x256xf32, #tpu.memory_space<vmem>>, %arg7: memref<2x1000x128xf32, #tpu.memory_space<vmem>>, %arg8: memref<2x1000x128xf32, #tpu.memory_space<vmem>>, %arg9: memref<1000x256xf32, #tpu.memory_space<vmem>>) attributes {dimension_semantics = [#tpu.dimension_semantics<arbitrary>], iteration_bounds = array<i64: 10>, scalar_prefetch = 0 : i64, scratch_operands = 0 : i64, tpu.core_type = #tpu.core_type<tc>, window_params = [{transform_indices = @transform_0, window_bounds = array<i64: 1000, 256>}, {pipeline_mode = #tpu.pipeline_mode<synchronous>, transform_indices = @transform_1, window_bounds = array<i64: 256, 256>}, {pipeline_mode = #tpu.pipeline_mode<synchronous>, transform_indices = @transform_2, window_bounds = array<i64: 256, 256>}, {pipeline_mode = #tpu.pipeline_mode<synchronous>, transform_indices = @transform_3, window_bounds = array<i64: 1, 256>}, {pipeline_mode = #tpu.pipeline_mode<synchronous>, transform_indices = @transform_4, window_bounds = array<i64: 256, 256>}, {pipeline_mode = #tpu.pipeline_mode<synchronous>, transform_indices = @transform_5, window_bounds = array<i64: 1, 256>}, {transform_indices = @transform_6, window_bounds = array<i64: 2, 1000, 128>}, {transform_indices = @transform_7, window_bounds = array<i64: 2, 1000, 128>}, {transform_indices = @transform_8, window_bounds = array<i64: 1000, 256>}]} {
    %get3A = arith.constant 0 : index
    %get3A_0 = arith.constant 0 : index
    %get3A_1 = vector.load %arg1[%get3A, %get3A_0] : memref<1000x256xf32, #tpu.memory_space<vmem>>, vector<1000x256xf32>
    %get3A_2 = arith.constant 0 : index
    %get3A_3 = arith.constant 0 : index
    %get3A_4 = vector.load %arg2[%get3A_2, %get3A_3] : memref<256x256xf32, #tpu.memory_space<vmem>>, vector<256x256xf32>
    %dot_general3A = arith.constant dense<0.000000e+00> : vector<1000x256xf32>
    %dot_general3A_5 = tpu.matmul %get3A_1, %get3A_4, %dot_general3A {dimension_numbers = #tpu.dot_dimension_numbers<[1], [0], [0], [1], [0, 0, 1, 1], [], []>, transpose_lhs_hint = false} : vector<1000x256xf32>, vector<256x256xf32>, vector<1000x256xf32> -> vector<1000x256xf32>
    %get3A_6 = arith.constant 0 : index
    %get3A_7 = arith.constant 0 : index
    %get3A_8 = vector.load %arg3[%get3A_6, %get3A_7] : memref<256x256xf32, #tpu.memory_space<vmem>>, vector<256x256xf32>
    %dot_general3A_9 = arith.constant dense<0.000000e+00> : vector<1000x256xf32>
    %dot_general3A_10 = tpu.matmul %get3A_1, %get3A_8, %dot_general3A_9 {dimension_numbers = #tpu.dot_dimension_numbers<[1], [0], [0], [1], [0, 0, 1, 1], [], []>, transpose_lhs_hint = false} : vector<1000x256xf32>, vector<256x256xf32>, vector<1000x256xf32> -> vector<1000x256xf32>
    %get3A_11 = arith.constant 0 : index
    %get3A_12 = arith.constant 0 : index
    %get3A_13 = vector.load %arg4[%get3A_11, %get3A_12] : memref<1x256xf32, #tpu.memory_space<vmem>>, vector<1x256xf32>
    %add3A = vector.broadcast %get3A_13 : vector<1x256xf32> to vector<1000x256xf32>
    %add3A_14 = arith.addf %dot_general3A_10, %add3A : vector<1000x256xf32>
    %slice3A = vector.extract_strided_slice %dot_general3A_5 {offsets = [0, 0], sizes = [1000, 128], strides = [1, 1]} : vector<1000x256xf32> to vector<1000x128xf32>
    %swap3A = arith.constant 0 : index
    %swap3A_15 = arith.constant 0 : index
    %swap3A_16 = arith.constant 0 : index
    %swap3A_17 = vector.load %arg7[%swap3A, %swap3A_15, %swap3A_16] : memref<2x1000x128xf32, #tpu.memory_space<vmem>>, vector<1x1000x128xf32>
    %swap3A_18 = vector.shape_cast %swap3A_17 : vector<1x1000x128xf32> to vector<1000x128xf32>
    %swap3A_19 = vector.shape_cast %slice3A : vector<1000x128xf32> to vector<1x1000x128xf32>
    tpu.vector_store %arg7[%swap3A, %swap3A_15, %swap3A_16], %swap3A_19 {strides = array<i32>} : memref<2x1000x128xf32, #tpu.memory_space<vmem>>, vector<1x1000x128xf32>,
    %slice3A_20 = vector.extract_strided_slice %dot_general3A_5 {offsets = [0, 128], sizes = [1000, 128], strides = [1, 1]} : vector<1000x256xf32> to vector<1000x128xf32>
    %swap3A_21 = arith.constant 1 : index
    %swap3A_22 = arith.constant 0 : index
    %swap3A_23 = arith.constant 0 : index
    %swap3A_24 = vector.load %arg7[%swap3A_21, %swap3A_22, %swap3A_23] : memref<2x1000x128xf32, #tpu.memory_space<vmem>>, vector<1x1000x128xf32>
    %swap3A_25 = vector.shape_cast %swap3A_24 : vector<1x1000x128xf32> to vector<1000x128xf32>
    %swap3A_26 = vector.shape_cast %slice3A_20 : vector<1000x128xf32> to vector<1x1000x128xf32>
    tpu.vector_store %arg7[%swap3A_21, %swap3A_22, %swap3A_23], %swap3A_26 {strides = array<i32>} : memref<2x1000x128xf32, #tpu.memory_space<vmem>>, vector<1x1000x128xf32>,
    %slice3A_27 = vector.extract_strided_slice %add3A_14 {offsets = [0, 0], sizes = [1000, 128], strides = [1, 1]} : vector<1000x256xf32> to vector<1000x128xf32>
    %swap3A_28 = arith.constant 0 : index
    %swap3A_29 = arith.constant 0 : index
    %swap3A_30 = arith.constant 0 : index
    %swap3A_31 = vector.load %arg8[%swap3A_28, %swap3A_29, %swap3A_30] : memref<2x1000x128xf32, #tpu.memory_space<vmem>>, vector<1x1000x128xf32>
    %swap3A_32 = vector.shape_cast %swap3A_31 : vector<1x1000x128xf32> to vector<1000x128xf32>
    %swap3A_33 = vector.shape_cast %slice3A_27 : vector<1000x128xf32> to vector<1x1000x128xf32>
    tpu.vector_store %arg8[%swap3A_28, %swap3A_29, %swap3A_30], %swap3A_33 {strides = array<i32>} : memref<2x1000x128xf32, #tpu.memory_space<vmem>>, vector<1x1000x128xf32>,
    %slice3A_34 = vector.extract_strided_slice %add3A_14 {offsets = [0, 128], sizes = [1000, 128], strides = [1, 1]} : vector<1000x256xf32> to vector<1000x128xf32>
    %swap3A_35 = arith.constant 1 : index
    %swap3A_36 = arith.constant 0 : index
    %swap3A_37 = arith.constant 0 : index
    %swap3A_38 = vector.load %arg8[%swap3A_35, %swap3A_36, %swap3A_37] : memref<2x1000x128xf32, #tpu.memory_space<vmem>>, vector<1x1000x128xf32>
    %swap3A_39 = vector.shape_cast %swap3A_38 : vector<1x1000x128xf32> to vector<1000x128xf32>
    %swap3A_40 = vector.shape_cast %slice3A_34 : vector<1000x128xf32> to vector<1x1000x128xf32>
    tpu.vector_store %arg8[%swap3A_35, %swap3A_36, %swap3A_37], %swap3A_40 {strides = array<i32>} : memref<2x1000x128xf32, #tpu.memory_space<vmem>>, vector<1x1000x128xf32>,
    %get3A_41 = arith.constant 0 : index
    %get3A_42 = arith.constant 0 : index
    %get3A_43 = vector.load %arg5[%get3A_41, %get3A_42] : memref<256x256xf32, #tpu.memory_space<vmem>>, vector<256x256xf32>
    %dot_general3A_44 = arith.constant dense<0.000000e+00> : vector<1000x256xf32>
    %dot_general3A_45 = tpu.matmul %get3A_1, %get3A_43, %dot_general3A_44 {dimension_numbers = #tpu.dot_dimension_numbers<[1], [0], [0], [1], [0, 0, 1, 1], [], []>, transpose_lhs_hint = false} : vector<1000x256xf32>, vector<256x256xf32>, vector<1000x256xf32> -> vector<1000x256xf32>
    %get3A_46 = arith.constant 0 : index
    %get3A_47 = arith.constant 0 : index
    %get3A_48 = vector.load %arg6[%get3A_46, %get3A_47] : memref<1x256xf32, #tpu.memory_space<vmem>>, vector<1x256xf32>
    %add3A_49 = vector.broadcast %get3A_48 : vector<1x256xf32> to vector<1000x256xf32>
    %add3A_50 = arith.addf %dot_general3A_45, %add3A_49 : vector<1000x256xf32>
    %swap3A_51 = arith.constant 0 : index
    %swap3A_52 = arith.constant 0 : index
    %swap3A_53 = vector.load %arg9[%swap3A_51, %swap3A_52] : memref<1000x256xf32, #tpu.memory_space<vmem>>, vector<1000x256xf32>
    tpu.vector_store %arg9[%swap3A_51, %swap3A_52], %add3A_50 {strides = array<i32>} : memref<1000x256xf32, #tpu.memory_space<vmem>>, vector<1000x256xf32>,
    return
  }
  func.func @transform_0(%arg0: i32) -> (i32, i32) {
    %c0_i32 = arith.constant 0 : i32
    %c0_i32_0 = arith.constant 0 : i32
    return %arg0, %c0_i32 : i32, i32
  }
  func.func @transform_1(%arg0: i32) -> (i32, i32) {
    %c0_i32 = arith.constant 0 : i32
    %c0_i32_0 = arith.constant 0 : i32
    %c0_i32_1 = arith.constant 0 : i32
    return %c0_i32, %c0_i32_0 : i32, i32
  }
  func.func @transform_2(%arg0: i32) -> (i32, i32) {
    %c0_i32 = arith.constant 0 : i32
    %c0_i32_0 = arith.constant 0 : i32
    %c0_i32_1 = arith.constant 0 : i32
    return %c0_i32, %c0_i32_0 : i32, i32
  }
  func.func @transform_3(%arg0: i32) -> (i32, i32) {
    %c0_i32 = arith.constant 0 : i32
    %c0_i32_0 = arith.constant 0 : i32
    %c0_i32_1 = arith.constant 0 : i32
    return %c0_i32, %c0_i32_0 : i32, i32
  }
  func.func @transform_4(%arg0: i32) -> (i32, i32) {
    %c0_i32 = arith.constant 0 : i32
    %c0_i32_0 = arith.constant 0 : i32
    %c0_i32_1 = arith.constant 0 : i32
    return %c0_i32, %c0_i32_0 : i32, i32
  }
  func.func @transform_5(%arg0: i32) -> (i32, i32) {
    %c0_i32 = arith.constant 0 : i32
    %c0_i32_0 = arith.constant 0 : i32
    %c0_i32_1 = arith.constant 0 : i32
    return %c0_i32, %c0_i32_0 : i32, i32
  }
  func.func @transform_6(%arg0: i32) -> (i32, i32, i32) {
    %c0_i32 = arith.constant 0 : i32
    %c0_i32_0 = arith.constant 0 : i32
    %c0_i32_1 = arith.constant 0 : i32
    return %c0_i32, %arg0, %c0_i32_0 : i32, i32, i32
  }
  func.func @transform_7(%arg0: i32) -> (i32, i32, i32) {
    %c0_i32 = arith.constant 0 : i32
    %c0_i32_0 = arith.constant 0 : i32
    %c0_i32_1 = arith.constant 0 : i32
    return %c0_i32, %arg0, %c0_i32_0 : i32, i32, i32
  }
  func.func @transform_8(%arg0: i32) -> (i32, i32) {
    %c0_i32 = arith.constant 0 : i32
    %c0_i32_0 = arith.constant 0 : i32
    return %arg0, %c0_i32 : i32, i32
  }
}

module attributes {stable_mosaic.version = 14 : i64} {
  func.func @body(%arg0: i32, %arg1: memref<2x1000x128xf32, #tpu.memory_space<vmem>>, %arg2: memref<1000x256xf32, #tpu.memory_space<vmem>>, %arg3: memref<128x256xf32, #tpu.memory_space<vmem>>, %arg4: memref<128x256xf32, #tpu.memory_space<vmem>>, %arg5: memref<256x256xf32, #tpu.memory_space<vmem>>, %arg6: memref<256x256xf32, #tpu.memory_space<vmem>>, %arg7: memref<1x256xf32, #tpu.memory_space<vmem>>, %arg8: memref<1000x256xf32, #tpu.memory_space<vmem>>) attributes {dimension_semantics = [#tpu.dimension_semantics<arbitrary>], iteration_bounds = array<i64: 10>, scalar_prefetch = 0 : i64, scratch_operands = 0 : i64, tpu.core_type = #tpu.core_type<tc>, window_params = [{transform_indices = @transform_0, window_bounds = array<i64: 2, 1000, 128>}, {transform_indices = @transform_1, window_bounds = array<i64: 1000, 256>}, {pipeline_mode = #tpu.pipeline_mode<synchronous>, transform_indices = @transform_2, window_bounds = array<i64: 128, 256>}, {pipeline_mode = #tpu.pipeline_mode<synchronous>, transform_indices = @transform_3, window_bounds = array<i64: 128, 256>}, {pipeline_mode = #tpu.pipeline_mode<synchronous>, transform_indices = @transform_4, window_bounds = array<i64: 256, 256>}, {pipeline_mode = #tpu.pipeline_mode<synchronous>, transform_indices = @transform_5, window_bounds = array<i64: 256, 256>}, {pipeline_mode = #tpu.pipeline_mode<synchronous>, transform_indices = @transform_6, window_bounds = array<i64: 1, 256>}, {transform_indices = @transform_7, window_bounds = array<i64: 1000, 256>}]} {
    %get3A = arith.constant 0 : index
    %get3A_0 = arith.constant 0 : index
    %get3A_1 = arith.constant 0 : index
    %get3A_2 = vector.load %arg1[%get3A, %get3A_0, %get3A_1] : memref<2x1000x128xf32, #tpu.memory_space<vmem>>, vector<1x1000x128xf32>
    %get3A_3 = vector.shape_cast %get3A_2 : vector<1x1000x128xf32> to vector<1000x128xf32>
    %get3A_4 = arith.constant 0 : index
    %get3A_5 = arith.constant 0 : index
    %get3A_6 = vector.load %arg3[%get3A_4, %get3A_5] : memref<128x256xf32, #tpu.memory_space<vmem>>, vector<128x256xf32>
    %dot_general3A = arith.constant dense<0.000000e+00> : vector<1000x256xf32>
    %dot_general3A_7 = tpu.matmul %get3A_3, %get3A_6, %dot_general3A {dimension_numbers = #tpu.dot_dimension_numbers<[1], [0], [0], [1], [0, 0, 1, 1], [], []>, transpose_lhs_hint = false} : vector<1000x128xf32>, vector<128x256xf32>, vector<1000x256xf32> -> vector<1000x256xf32>
    %get3A_8 = arith.constant 1 : index
    %get3A_9 = arith.constant 0 : index
    %get3A_10 = arith.constant 0 : index
    %get3A_11 = vector.load %arg1[%get3A_8, %get3A_9, %get3A_10] : memref<2x1000x128xf32, #tpu.memory_space<vmem>>, vector<1x1000x128xf32>
    %get3A_12 = vector.shape_cast %get3A_11 : vector<1x1000x128xf32> to vector<1000x128xf32>
    %get3A_13 = arith.constant 0 : index
    %get3A_14 = arith.constant 0 : index
    %get3A_15 = vector.load %arg4[%get3A_13, %get3A_14] : memref<128x256xf32, #tpu.memory_space<vmem>>, vector<128x256xf32>
    %dot_general3A_16 = arith.constant dense<0.000000e+00> : vector<1000x256xf32>
    %dot_general3A_17 = tpu.matmul %get3A_12, %get3A_15, %dot_general3A_16 {dimension_numbers = #tpu.dot_dimension_numbers<[1], [0], [0], [1], [0, 0, 1, 1], [], []>, transpose_lhs_hint = false} : vector<1000x128xf32>, vector<128x256xf32>, vector<1000x256xf32> -> vector<1000x256xf32>
    %add3A = arith.addf %dot_general3A_7, %dot_general3A_17 : vector<1000x256xf32>
    %get3A_18 = arith.constant 0 : index
    %get3A_19 = arith.constant 0 : index
    %get3A_20 = vector.load %arg2[%get3A_18, %get3A_19] : memref<1000x256xf32, #tpu.memory_space<vmem>>, vector<1000x256xf32>
    %get3A_21 = arith.constant 0 : index
    %get3A_22 = arith.constant 0 : index
    %get3A_23 = vector.load %arg5[%get3A_21, %get3A_22] : memref<256x256xf32, #tpu.memory_space<vmem>>, vector<256x256xf32>
    %dot_general3A_24 = arith.constant dense<0.000000e+00> : vector<1000x256xf32>
    %dot_general3A_25 = tpu.matmul %add3A, %get3A_23, %dot_general3A_24 {dimension_numbers = #tpu.dot_dimension_numbers<[1], [0], [0], [1], [0, 0, 1, 1], [], []>, transpose_lhs_hint = false} : vector<1000x256xf32>, vector<256x256xf32>, vector<1000x256xf32> -> vector<1000x256xf32>
    %add3A_26 = arith.addf %get3A_20, %dot_general3A_25 : vector<1000x256xf32>
    %max3A = arith.constant 0.000000e+00 : f32
    %max3A_27 = vector.broadcast %max3A : f32 to vector<1000x256xf32>
    %max3A_28 = arith.maximumf %add3A_26, %max3A_27 : vector<1000x256xf32>
    %get3A_29 = arith.constant 0 : index
    %get3A_30 = arith.constant 0 : index
    %get3A_31 = vector.load %arg6[%get3A_29, %get3A_30] : memref<256x256xf32, #tpu.memory_space<vmem>>, vector<256x256xf32>
    %dot_general3A_32 = arith.constant dense<0.000000e+00> : vector<1000x256xf32>
    %dot_general3A_33 = tpu.matmul %max3A_28, %get3A_31, %dot_general3A_32 {dimension_numbers = #tpu.dot_dimension_numbers<[1], [0], [0], [1], [0, 0, 1, 1], [], []>, transpose_lhs_hint = false} : vector<1000x256xf32>, vector<256x256xf32>, vector<1000x256xf32> -> vector<1000x256xf32>
    %get3A_34 = arith.constant 0 : index
    %get3A_35 = arith.constant 0 : index
    %get3A_36 = vector.load %arg7[%get3A_34, %get3A_35] : memref<1x256xf32, #tpu.memory_space<vmem>>, vector<1x256xf32>
    %add3A_37 = vector.broadcast %get3A_36 : vector<1x256xf32> to vector<1000x256xf32>
    %add3A_38 = arith.addf %dot_general3A_33, %add3A_37 : vector<1000x256xf32>
    %swap3A = arith.constant 0 : index
    %swap3A_39 = arith.constant 0 : index
    %swap3A_40 = vector.load %arg8[%swap3A, %swap3A_39] : memref<1000x256xf32, #tpu.memory_space<vmem>>, vector<1000x256xf32>
    tpu.vector_store %arg8[%swap3A, %swap3A_39], %add3A_38 {strides = array<i32>} : memref<1000x256xf32, #tpu.memory_space<vmem>>, vector<1000x256xf32>,
    return
  }
  func.func @transform_0(%arg0: i32) -> (i32, i32, i32) {
    %c0_i32 = arith.constant 0 : i32
    %c0_i32_0 = arith.constant 0 : i32
    %c0_i32_1 = arith.constant 0 : i32
    return %c0_i32, %arg0, %c0_i32_0 : i32, i32, i32
  }
  func.func @transform_1(%arg0: i32) -> (i32, i32) {
    %c0_i32 = arith.constant 0 : i32
    %c0_i32_0 = arith.constant 0 : i32
    return %arg0, %c0_i32 : i32, i32
  }
  func.func @transform_2(%arg0: i32) -> (i32, i32) {
    %c0_i32 = arith.constant 0 : i32
    %c0_i32_0 = arith.constant 0 : i32
    %c0_i32_1 = arith.constant 0 : i32
    return %c0_i32, %c0_i32_0 : i32, i32
  }
  func.func @transform_3(%arg0: i32) -> (i32, i32) {
    %c0_i32 = arith.constant 0 : i32
    %c0_i32_0 = arith.constant 0 : i32
    %c0_i32_1 = arith.constant 0 : i32
    return %c0_i32, %c0_i32_0 : i32, i32
  }
  func.func @transform_4(%arg0: i32) -> (i32, i32) {
    %c0_i32 = arith.constant 0 : i32
    %c0_i32_0 = arith.constant 0 : i32
    %c0_i32_1 = arith.constant 0 : i32
    return %c0_i32, %c0_i32_0 : i32, i32
  }
  func.func @transform_5(%arg0: i32) -> (i32, i32) {
    %c0_i32 = arith.constant 0 : i32
    %c0_i32_0 = arith.constant 0 : i32
    %c0_i32_1 = arith.constant 0 : i32
    return %c0_i32, %c0_i32_0 : i32, i32
  }
  func.func @transform_6(%arg0: i32) -> (i32, i32) {
    %c0_i32 = arith.constant 0 : i32
    %c0_i32_0 = arith.constant 0 : i32
    %c0_i32_1 = arith.constant 0 : i32
    return %c0_i32, %c0_i32_0 : i32, i32
  }
  func.func @transform_7(%arg0: i32) -> (i32, i32) {
    %c0_i32 = arith.constant 0 : i32
    %c0_i32_0 = arith.constant 0 : i32
    return %arg0, %c0_i32 : i32, i32
  }
}

</mosaic_0001>

<sc_bundles>
// kernel: kernel.5.cloned.1.call-start
scs
__scs_entry_jumppad:
0x0: {  	(pc) =	sbr.rel $0x88, $3  }
0x1: {  	(tag) =	ssettag $0x0;
	lr =	simm.s32 $0x1  }
0x2: {  	[smem:$0x3F98] =	sst lr;
	_ =	strace $0xD0000000  }
0x3: {  	_ = 	snop  }
0x4: {  	_ = 	snop  }
0x5: {  	_ = 	snop  }
0x6: {  	_ = 	snop  }
0x7: {  	_ = 	snop  }
__scs_overlays_trampoline_lowered:
0x8: {  	[smem:$0x3FA7] =	sst s0  }
0x9: {  	[smem:$0x3FA8] =	sst s1  }
0xa: {  	[smem:$0x3FA9] =	sst s2  }
0xb: {  	[smem:$0x3FAA] =	sst s3  }
0xc: {  	[smem:$0x3FAB] =	sst s4  }
0xd: {  	[smem:$0x3FAC] =	sst s5  }
0xe: {  	[smem:$0x3FAD] =	sst s6  }
0xf: {  	[smem:$0x3FAE] =	sst s7  }
0x10: {  	[smem:$0x3FAF] =	sst s8  }
0x11: {  	[smem:$0x3FB0] =	sst s9;
	s0 =	simm.s32 @!p0 $0x0  }
0x12: {  	s1 =	sld [smem:$0x3F96];
	s0 =	simm.s32 @p0 $0x1  }
0x13: {  	[smem:$0x3FB1] =	sst s0;
	s0 =	simm.s32 @!p1 $0x0  }
0x14: {  	s2 =	sld [smem:$0x3F95];
	s0 =	simm.s32 @p1 $0x1  }
0x15: {  	[smem:$0x3FB2] =	sst s0;
	s0 =	simm.s32 @!p2 $0x0  }
0x16: {  	s3 =	sld [smem:$0x3FDB];
	s0 =	simm.s32 @p2 $0x1  }
0x17: {  	s4 =	simm.s32 $0x1BF5;
	[smem:$0x3FB4] =	sst s0  }
0x18: {  	s0 =	sld [smem:$0x3F97];
	_ =	swait.ge [sflag:s4], $0x0  }
0x19: {  	s7 =	sld [smem:$0x3F98]  }
0x1a: {  	s8 =	sadd.s32 $0xFFFFE003, lr  }
0x1b: {  	s9 =	sadd.s32 $0xFFFFFEF7, lr;
	s5 =	simm.s32 $0xFFFFFFFF;
	p2 =	slt.u32 s8, $0xFFFFF086  }
0x1c: {  	p1 =	slt.u32 s9, $0xF7A;
	s5 =	simm.s32 @!p2 $0x0  }
0x1d: {  	s5 =	simm.s32 @p1 $0x1;
	p0 =	seq.s32 s7, s2  }
0x1e: {  	s7 =	smul.u32 @!p0 $0xF7A, s2;
	p2 =	seq.s32 @!p0 s5, $0x0  }
0x1f: {  	s9 =	smul.u32 $0xF7A, s1;
	s8 =	simm.s32 @!p0 $0x1BF5;
	p2 =	por !p2, p0  }
0x20: {  	[sflag:s8] =	ssyncset.s32 @!p0 $0xFFFFF086;
	s6 =	sadd.s32 @!p0 s3, s7;
	s7 =	simm.s32 @!p0 $0x108  }
0x21: {  	s3 =	sadd.s32 s3, s9;
	s6 =	sadd.s32 @!p0 $0x88, s6;
	s7 =	simm.s32 @p2 $0x1082  }
0x22: {  	[simem:s7], [sflag:s8] =	dma.local @!p0 [hbm:s6], $0xF7A  }
0x23: {  	s9 =	sor.u32 $0xD0000000, s2;
	s6 =	simm.s32 $0x108;
	_ =	swait.ge @!p0 [sflag:s8], $0x0  }
0x24: {  	s3 =	sadd.s32 $0x88, s3;
	s6 =	simm.s32 @!p1 $0x1082;
	[sflag:s4] =	ssyncset.s32 $0xFFFFF086  }
0x25: {  	[simem:s6], [sflag:s4] =	dma.local [hbm:s3], $0xF7A  }
0x26: {  	[smem:$0x3F98] =	sst s1;
	(tag) =	ssettag s2;
	_ =	strace s9  }
0x27: {  	s1 =	sld [smem:$0x3FA8]  }
0x28: {  	s2 =	sld [smem:$0x3FA9]  }
0x29: {  	s4 =	sld [smem:$0x3FAB]  }
0x2a: {  	p0 =	seq.s32 s5, $0x0;
	s5 =	sld [smem:$0x3FAC]  }
0x2b: {  	s6 =	sld [smem:$0x3FAD]  }
0x2c: {  	s7 =	sld [smem:$0x3FAE]  }
0x2d: {  	s3 =	simm.s32 $0x108;
	s8 =	sld [smem:$0x3FAF]  }
0x2e: {  	s3 =	simm.s32 @!p0 $0x1082;
	s9 =	sld [smem:$0x3FB0]  }
0x2f: {  	lr =	sadd.s32 s0, s3;
	s0 =	sld [smem:$0x3FA7]  }
0x30: {  	s3 =	sld [smem:$0x3FAA]  }
0x31: {  	[smem:$0x3FB3] =	sst s10  }
0x32: {  	s10 =	sld [smem:$0x3FB1];
	_ =	sdelay $0x3  }
0x33: {  	p0 =	seq.s32 s10, $0x1;
	s10 =	sld [smem:$0x3FB3];
	_ =	sdelay $0x3  }
0x34: {  	[smem:$0x3FB3] =	sst s10  }
0x35: {  	s10 =	sld [smem:$0x3FB2];
	_ =	sdelay $0x3  }
0x36: {  	p1 =	seq.s32 s10, $0x1;
	s10 =	sld [smem:$0x3FB3];
	_ =	sdelay $0x3  }
0x37: {  	[smem:$0x3FB3] =	sst s10  }
0x38: {  	s10 =	sld [smem:$0x3FB4]  }
0x39: {  	_ = 	snop;
	(pc) =	sbr.ind lr, $3  }
0x3a: {  	_ = 	snop  }
0x3b: {  	_ = 	snop  }
0x3c: {  	p2 =	seq.s32 s10, $0x1;
	s10 =	sld [smem:$0x3FB3]  }
0x3d: {  	_ =	shalt  }
0x3e: {  	_ =	shalt  }
0x3f: {  	_ =	shalt  }
0x40: {  	_ =	shalt  }
0x41: {  	_ =	shalt  }
0x42: {  	_ =	shalt  }
0x43: {  	_ =	shalt  }
0x44: {  	_ =	shalt  }
0x45: {  	_ =	shalt  }
0x46: {  	_ =	shalt  }
0x47: {  	_ =	shalt  }
0x48: {  	_ =	shalt  }
0x49: {  	_ =	shalt  }
0x4a: {  	_ =	shalt  }
0x4b: {  	_ =	shalt  }
0x4c: {  	_ =	shalt  }
0x4d: {  	_ =	shalt  }
0x4e: {  	_ =	shalt  }
0x4f: {  	_ =	shalt  }
0x50: {  	_ =	shalt  }
0x51: {  	_ =	shalt  }
0x52: {  	_ =	shalt  }
0x53: {  	_ =	shalt  }
0x54: {  	_ =	shalt  }
0x55: {  	_ =	shalt  }
0x56: {  	_ =	shalt  }
0x57: {  	_ =	shalt  }
0x58: {  	_ =	shalt  }
0x59: {  	_ =	shalt  }
0x5a: {  	_ =	shalt  }
0x5b: {  	_ =	shalt  }
0x5c: {  	_ =	shalt  }
0x5d: {  	_ =	shalt  }
0x5e: {  	_ =	shalt  }
0x5f: {  	_ =	shalt  }
0x60: {  	_ =	shalt  }
0x61: {  	_ =	shalt  }
0x62: {  	_ =	shalt  }
0x63: {  	_ =	shalt  }
0x64: {  	_ =	shalt  }
0x65: {  	_ =	shalt  }
0x66: {  	_ =	shalt  }
0x67: {  	_ =	shalt  }
0x68: {  	_ =	shalt  }
0x69: {  	_ =	shalt  }
0x6a: {  	_ =	shalt  }
0x6b: {  	_ =	shalt  }
0x6c: {  	_ =	shalt  }
0x6d: {  	_ =	shalt  }
0x6e: {  	_ =	shalt  }
0x6f: {  	_ =	shalt  }
0x70: {  	_ =	shalt  }
0x71: {  	_ =	shalt  }
0x72: {  	_ =	shalt  }
0x73: {  	_ =	shalt  }
0x74: {  	_ =	shalt  }
0x75: {  	_ =	shalt  }
0x76: {  	_ =	shalt  }
0x77: {  	_ =	shalt  }
0x78: {  	_ =	shalt  }
0x79: {  	_ =	shalt  }
0x7a: {  	_ =	shalt  }
0x7b: {  	_ =	shalt  }
0x7c: {  	_ =	shalt  }
0x7d: {  	_ =	shalt  }
0x7e: {  	_ =	shalt  }
0x7f: {  	_ =	shalt  }
0x80: {  	_ =	shalt  }
0x81: {  	_ =	shalt  }
0x82: {  	_ =	shalt  }
0x83: {  	_ =	shalt  }
0x84: {  	_ =	shalt  }
0x85: {  	_ =	shalt  }
0x86: {  	_ =	shalt  }
0x87: {  	_ =	shalt  }
.Lfunc_end0:
.L_simem_size_0:
called_computation_lowered:
.L_overlay_start_0:
0x88: {  	s2 =	sld [smem:$0x3FD9]  }
0x89: {  	s3 =	sld [smem:$0x3FFE];
	_ =	sdelay $0x1  }
0x8a: {  	s1 =	srdreg.scid  }
0x8b: {  	s0 =	sand.u32 $0x1, s1  }
0x8c: {  	s16 =	sshll.u32 s0, $0xA;
	s2 =	sadd.s32 s3, s2  }
0x8d: {  	s2 =	sadd.s32 s2, s16  }
0x8e: {  	[smem:$0x3FBF] =	sst s2  }
0x8f: {  	_ = 	snop  }
0x90: {  	(tm) =	ssettm $0x1  }
0x91: {  	s17 =	sld [smem:$0x3FFB];
	_ =	sdelay $0x3  }
0x92: {  	_ =	strace s17  }
0x93: {  	s2 =	sld [smem:$0x3FFC];
	_ =	sdelay $0x3  }
0x94: {  	_ =	strace s2  }
0x95: {  	s2 =	sld [smem:$0x3FFD];
	_ =	sdelay $0x3  }
0x96: {  	_ =	strace s2  }
0x97: {  	_ =	strace $0x8FFFFFFF  }
0x98: {  	s18 =	sld [smem:$0x3FDB];
	_ =	sdelay $0x1  }
0x99: {  	s19 =	simm.s32 $_scs_section_size  }
0x9a: {  	s4 =	simm.s32 $_size__tile_overlayer_lowered;
	s5 =	simm.s32 $_tile_overlayer_lowered  }
0x9b: {  	s22 =	simm.s32 $0x1BFF;
	s21 =	sshll.u32 s5, $0x1;
	s2 =	sadd.s32 s19, s18  }
0x9c: {  	s6 =	simm.s32 $0x0;
	s20 =	sshll.u32 s4, $0x1;
	s4 =	sadd.s32 s21, s2  }
0x9d: {  	[timem:s6], [sflag:s22] =	dma.local [hbm:s4], s20  }
0x9e: {  	_ =	swait.ge [sflag:s22], s20  }
0x9f: {  	s3 =	ssub.s32 $0x0, s20;
	[sflag:s22] =	ssyncset.done $0x0  }
0xa0: {  	[sflag:s22] =	ssyncadd.s32 s3;
	_ =	sdelay $0x1  }
0xa1: {  	s23 =	simm.s32 $0x1B8B  }
0xa2: {  	_ =	swait.ge [sflag:s23], $0x1  }
0xa3: {  	[sflag:s23] =	ssyncset.done $0x0  }
0xa4: {  	s25 =	simm.s32 $0x1B8E;
	s24 =	sld [smem:$0x3FFE];
	[sflag:s23] =	ssyncadd.s32 $0xFFFFFFFF  }
0xa5: {  	s26 =	simm.s32 $execute0_lowered;
	[smem:$0x3FD2] =	sst s25  }
0xa6: {  	s4 =	sshll.u32 s26, $0x1;
	_ =	strace $0x80000046;
	[dreg:$0x1] =	wrdreg $0xFFFFFFFF  }
0xa7: {  	s28 =	simm.s32 $_size_execute0_lowered;
	s2 =	sadd.s32 s2, s4;
	[dreg:$0x0] =	wrdreg $0x0  }
0xa8: {  	s4 =	sshll.u32 s28, $0x1;
	[dreg:$0x2] =	wrdreg s2  }
0xa9: {  	[dreg:$0x3] =	wrdreg s4  }
0xaa: {  	[dreg:$0x4] =	wrdreg $0xC0  }
0xab: {  	_ =	task [dreg:s6], $0x5FFFF  }
0xac: {  	[dreg:$0x1] =	wrdreg $0xFFFFFFFF  }
0xad: {  	[dreg:$0x0] =	wrdreg $0x60  }
0xae: {  	[dreg:$0x2] =	wrdreg s24  }
0xaf: {  	[dreg:$0x3] =	wrdreg $0xC5800  }
0xb0: {  	[dreg:$0x4] =	wrdreg $0x9  }
0xb1: {  	_ =	task.clear_ibuf [dreg:s6], $0x5FFFF;
	_ =	strace $0x90000046  }
0xb2: {  	s29 =	simm.s32 $0x9;
	_ =	strace $0x80000048  }
0xb3: {  	_ =	swait.ge [sflag:s29], $0x1  }
0xb4: {  	[sflag:s29] =	ssyncadd.s32 $0xFFFFFFFF  }
0xb5: {  	_ =	strace $0x90000048  }
0xb6: {  	_ =	sfence  }
0xb7: {  	s30 =	sld [smem:$0x0];
	_ =	sdelay $0x2  }
0xb8: {  	s31 =	sshll.u32 s1, $0xD;
	s1 =	sshrl.u32 s1, $0x2  }
0xb9: {  	s3 =	sand.u32 $0x4000, s31;
	s1 =	sadd.s32 s1, s30  }
0xba: {  	s0 =	sor.u32 s3, s0;
	s1 =	sshll.u32 s1, $0x11  }
0xbb: {  	s0 =	sor.u32 s1, s0  }
0xbc: {  	s0 =	sadd.s32 $0x8F2B, s0  }
0xbd: {  	[sflag:s0] =	ssyncadd.remote.s32 $0x1  }
0xbe: {  	_ =	sfence.sel $0xFFFF  }
0xbf: {  	[dreg:$0x0] =	wrdreg $0xFFFFFFFF;
	(pc) =	sbr.abs _section_cstart, $3  }
0xc0: {  	[dreg:$0x1] =	wrdreg $0xFFFFFFFF  }
0xc1: {  	_ =	task.clear_ibuf [dreg:s6], $0x2FFFF;
	_ =	strace $0x9FFFFFFF  }
0xc2: {  	(tm) =	ssettm $0x7FFFFFFF  }
0xc3: {  	_ =	shalt  }
tec
execute0_lowered:
.L_overlay_start_1:
0x0: {  	(tag) =	ssettag $0x1  }
0x1: {  	s0 =	rddreg [dreg:$0x0]  }
0x2: {  	s1 =	rddreg [dreg:$0x1]  }
0x3: {  	s3 =	simm.s32 $0x0;
	s2 =	srdreg.scid;
	s12 =	stileid.u32  }
0x4: {  	s28 =	simm.s32 $0x1;
	s29 =	simm.s32 $0x2;
	s30 =	simm.s32 $0x3  }
0x5: {  	s31 =	simm.s32 $0x4;
	[smem:$0x7FF] =	sst s3;
	s4 =	sadd.s32 $0x31200, s0  }
0x6: {  	s2 =	sand.u32 $0x1, s2;
	s7 =	smul.u32 $0x4E000, s12;
	s5 =	sadd.s32 $0x7F400, s0  }
0x7: {  	s6 =	sadd.s32 $0x2400, s0;
	s0 =	sadd.s32 $0xCD600, s0;
	s19 =	smul.u32 $0x2700, s12  }
0x8: {  	s15 =	sadd.s32 $0x138000, s1;
	p0 =	sne.s32 s12, $0xF;
	_ =	strace $0x80000047  }
0x9: {  	s8 =	ssub.s32 $0x2, s2;
	s24 =	smul.u32 $0x138800, s2;
	s7 =	sshrl.u32 s7, $0x2  }
0xa: {  	s26 =	smul.u32 $0x27100, s2;
	s2 =	sshll.u32 s2, $0x4;
	s7 =	sadd.s32 s7, s1  }
0xb: {  	s9 =	sshrl.u32 s8, $0x1;
	s2 =	sor.u32 s12, s2;
	s10 =	sadd.s32 $0x2800, s7  }
0xc: {  	s8 =	ssub.s32 s8, s9;
	s20 =	sadd.s32 $0x5000, s7;
	[dreg:$0x3] =	wrdreg s10  }
0xd: {  	s9 =	sadd.s32 s19, s26;
	s21 =	sadd.s32 $0x7800, s7;
	[dreg:$0x4] =	wrdreg s20  }
0xe: {  	s16 =	smul.u32 $0x5, s2;
	s22 =	sadd.s32 $0xA000, s7;
	[dreg:$0x5] =	wrdreg s21  }
0xf: {  	s26 =	simm.s32 $0x7800;
	s23 =	sadd.s32 $0xC800, s7;
	[dreg:$0x6] =	wrdreg s22  }
0x10: {  	s2 =	simm.s32 $0x0;
	s11 =	sadd.s32 $0xF000, s7;
	[dreg:$0x7] =	wrdreg s23  }
0x11: {  	s25 =	sadd.s32 $0x11800, s7;
	s17 =	sadd.s32 s0, s9;
	[dreg:$0x8] =	wrdreg s11  }
0x12: {  	s19 =	smax.u32 s8, $0x1;
	[dreg:$0x9] =	wrdreg s25;
	s10 =	sshrl.u32 s24, $0x3  }
0x13: {  	s20 =	simm.s32 $0x5;
	s21 =	simm.s32 $0xA000;
	s22 =	simm.s32 $0x50  }
0x14: {  	s23 =	simm.s32 $0xA080;
	s24 =	simm.s32 $0x2800;
	s10 =	sadd.s32 s0, s10  }
0x15: {  	v0 =	vimm.f32 $0.0e+00;
	s25 =	simm.s32 $0x5000;
	s0 =	simm.s32 $0xC500;
	s18 =	sadd.s32 $0x27000, s10  }
.LBB2_1:
0x16: {  	s8 =	simm.s32 $0x70;
	s9 =	simm.s32 $0x3C0  }
.LBB2_2:
0x17: {  	p1 =	sne.s32 s9, $0x9FC0;
	[tilespmem:s8+$0x0] =	vst v0  }
0x18: {  	[tilespmem:s8+$0xFFFFFF90] =	vst v0  }
0x19: {  	[tilespmem:s8+$0xFFFFFFA0] =	vst v0  }
.Ltmp0:
0x1a: {  	[tilespmem:s8+$0xFFFFFFB0] =	vst v0;
	(pc) =	sbr.rel @p1 .LBB2_2-.Ltmp0, $4  }
0x1b: {  	[tilespmem:s8+$0xFFFFFFC0] =	vst v0  }
0x1c: {  	[tilespmem:s8+$0xFFFFFFD0] =	vst v0  }
0x1d: {  	[tilespmem:s8+$0xFFFFFFE0] =	vst v0  }
0x1e: {  	[tilespmem:s8+$0xFFFFFFF0] =	vst v0;
	s8 =	sshra.s32 s9, $0x2;
	s9 =	sadd.s32 $0x200, s9  }
0x1f: {  	[tilespmem:s8+$0x0] =	vst v0  }
0x20: {  	[tilespmem:s8+$0xFFFFFF90] =	vst v0  }
0x21: {  	[tilespmem:s8+$0xFFFFFFA0] =	vst v0  }
0x22: {  	[tilespmem:s8+$0xFFFFFFB0] =	vst v0  }
0x23: {  	[tilespmem:s8+$0xFFFFFFC0] =	vst v0  }
0x24: {  	[tilespmem:s8+$0xFFFFFFD0] =	vst v0  }
0x25: {  	[tilespmem:s8+$0xFFFFFFE0] =	vst v0  }
0x26: {  	[tilespmem:s8+$0xFFFFFFF0] =	vst v0  }
0x27: {  	[spmem:s7] =	stream.linear.scatter [tilespmem:s3], [sflag:$0x5], $0x2800, $0x38;
	[tilespmem:$0x1FE00] =	vst v63  }
0x28: {  	_ =	swait.ge [sflag:s20], $0x2800  }
0x29: {  	[sflag:s20] =	ssyncset.done $0x0  }
0x2a: {  	s14 =	rddreg [dreg:$0x3];
	[sflag:s20] =	ssyncadd.s32 $0xFFFFD800  }
0x2b: {  	[spmem:s14] =	stream.linear.scatter [tilespmem:s3], [sflag:$0x5], $0x2800, $0x38;
	[tilespmem:$0x1FE00] =	vst v63  }
0x2c: {  	_ =	swait.ge [sflag:s20], $0x2800  }
0x2d: {  	[sflag:s20] =	ssyncset.done $0x0  }
0x2e: {  	s9 =	rddreg [dreg:$0x4];
	[sflag:s20] =	ssyncadd.s32 $0xFFFFD800  }
0x2f: {  	[spmem:s9] =	stream.linear.scatter [tilespmem:s3], [sflag:$0x5], $0x2800, $0x38;
	[tilespmem:$0x1FE00] =	vst v63  }
0x30: {  	_ =	swait.ge [sflag:s20], $0x2800  }
0x31: {  	[sflag:s20] =	ssyncset.done $0x0  }
0x32: {  	s10 =	rddreg [dreg:$0x5];
	[sflag:s20] =	ssyncadd.s32 $0xFFFFD800  }
0x33: {  	[spmem:s10] =	stream.linear.scatter [tilespmem:s3], [sflag:$0x5], $0x2800, $0x38;
	[tilespmem:$0x1FE00] =	vst v63  }
0x34: {  	_ =	swait.ge [sflag:s20], $0x2800  }
0x35: {  	[sflag:s20] =	ssyncset.done $0x0  }
0x36: {  	s11 =	rddreg [dreg:$0x6];
	[sflag:s20] =	ssyncadd.s32 $0xFFFFD800  }
0x37: {  	[spmem:s11] =	stream.linear.scatter [tilespmem:s3], [sflag:$0x5], $0x2800, $0x38;
	[tilespmem:$0x1FE00] =	vst v63  }
0x38: {  	_ =	swait.ge [sflag:s20], $0x2800  }
0x39: {  	[sflag:s20] =	ssyncset.done $0x0  }
0x3a: {  	s12 =	rddreg [dreg:$0x7];
	[sflag:s20] =	ssyncadd.s32 $0xFFFFD800  }
0x3b: {  	[spmem:s12] =	stream.linear.scatter [tilespmem:s3], [sflag:$0x5], $0x2800, $0x38;
	[tilespmem:$0x1FE00] =	vst v63  }
0x3c: {  	_ =	swait.ge [sflag:s20], $0x2800  }
0x3d: {  	[sflag:s20] =	ssyncset.done $0x0  }
0x3e: {  	s13 =	rddreg [dreg:$0x8];
	[sflag:s20] =	ssyncadd.s32 $0xFFFFD800  }
0x3f: {  	[spmem:s13] =	stream.linear.scatter [tilespmem:s3], [sflag:$0x5], $0x2800, $0x38;
	[tilespmem:$0x1FE00] =	vst v63  }
0x40: {  	_ =	swait.ge [sflag:s20], $0x2800  }
0x41: {  	[sflag:s20] =	ssyncset.done $0x0  }
0x42: {  	s14 =	rddreg [dreg:$0x9];
	[sflag:s20] =	ssyncadd.s32 $0xFFFFD800  }
0x43: {  	[spmem:s14] =	stream.linear.scatter [tilespmem:s3], [sflag:$0x5], $0x2000, $0x38;
	[tilespmem:$0x1FE00] =	vst v63  }
0x44: {  	_ =	swait.ge [sflag:s20], $0x2000  }
0x45: {  	[sflag:s20] =	ssyncset.done $0x0  }
0x46: {  	s8 =	simm.s32 @!p0 $0x0;
	[sflag:s20] =	ssyncadd.s32 $0xFFFFE000  }
0x47: {  	[spmem:s15] =	stream.linear.scatter @!p0 [tilespmem:s8], [sflag:$0x5], $0x800, $0x38;
	[tilespmem:$0x1FE00] =	vst v63  }
0x48: {  	s8 =	simm.s32 @!p0 $0x5  }
0x49: {  	_ =	swait.ge @!p0 [sflag:s8], $0x800  }
0x4a: {  	[sflag:s8] =	ssyncset.done @!p0 $0x0  }
0x4b: {  	[sflag:s8] =	ssyncadd.s32 @!p0 $0xFFFFF800  }
0x4c: {  	s9 =	simm.s32 $0x0;
	s8 =	simm.s32 $0x0;
	[bflag:$0x0] =	sbarrier.arrive $0xFFFF  }
.LBB2_4:
0x4d: {  	s10 =	sadd.s32 s16, s9  }
0x4e: {  	s10 =	smul.u32 $0x4B0, s10;
	_ =	sdelay $0x1  }
0x4f: {  	s10 =	sadd.s32 s6, s10  }
0x50: {  	[tilespmem:s21], [sflag:$0x5] =	stream.linear.gather [hbm4b:s10+s8], $0x2580, $0x38;
	[tilespmem:$0x1FE00] =	vst v63  }
0x51: {  	_ =	swait.ge [sflag:s20], $0x2580  }
0x52: {  	[sflag:s20] =	ssyncset.done $0x0  }
0x53: {  	[sflag:s20] =	ssyncadd.s32 $0xFFFFDA80  }
0x54: {  	[tilespmem:s8], [sflag:$0x1] =	stream.indirect.gather [hbm4b:s4+s22], $0x80, s21, s22, $0xb8;
	[tilespmem:$0x1FE00] =	vst v63  }
0x55: {  	s10 =	simm.s32 $0x0  }
0x56: {  	[tilespmem:s24], [sflag:$0x2] =	stream.indirect.gather [hbm4b:s5+s22], $0x80, s23, s22, $0xb8;
	[tilespmem:$0x1FE00] =	vst v63  }
.LBB2_5:
0x57: {  	s11 =	smul.u32 $0xC00, s10;
	_ =	sdelay $0x1  }
0x58: {  	s11 =	sshra.s32 s11, $0x2  }
0x59: {  	s12 =	sadd.s32 $0xA180, s11  }
0x5a: {  	[tilespmem:s25], [sflag:$0x3] =	stream.indirect.gather [hbm4b:s4+s22], $0x80, s12, s22, $0xb8;
	[tilespmem:$0x1FE00] =	vst v63  }
0x5b: {  	s14 =	sadd.s32 $0xA200, s11  }
0x5c: {  	[tilespmem:s26], [sflag:$0x4] =	stream.indirect.gather [hbm4b:s5+s22], $0x80, s14, s22, $0xb8;
	[tilespmem:$0x1FE00] =	vst v63  }
0x5d: {  	_ =	swait.ge [sflag:s28], $0x2800  }
0x5e: {  	[sflag:s28] =	ssyncset.done $0x0  }
0x5f: {  	[sflag:s28] =	ssyncadd.s32 $0xFFFFD800  }
0x60: {  	_ =	swait.ge [sflag:s29], $0x2800  }
0x61: {  	[sflag:s29] =	ssyncset.done $0x0  }
0x62: {  	s12 =	simm.s32 $0x0;
	[sflag:s29] =	ssyncadd.s32 $0xFFFFD800  }
0x63: {  	v7 =	vld [tilespmem:s12+$0x2800]  }
0x64: {  	v12 =	vld [tilespmem:s12+$0x2810]  }
0x65: {  	v6 =	vld [tilespmem:s12+$0x2820]  }
0x66: {  	v5 =	vld [tilespmem:s12+$0x2830]  }
0x67: {  	v4 =	vld [tilespmem:s12+$0x2840]  }
0x68: {  	v3 =	vld [tilespmem:s12+$0x2850]  }
0x69: {  	v2 =	vld [tilespmem:s12+$0x2860]  }
0x6a: {  	v1 =	vld [tilespmem:s12+$0x2870]  }
0x6b: {  	v13 =	vld [tilespmem:s12+$0x0]  }
0x6c: {  	v14 =	vld [tilespmem:s12+$0x10]  }
0x6d: {  	v11 =	vld [tilespmem:s12+$0x20]  }
0x6e: {  	v10 =	vld [tilespmem:s12+$0x30]  }
0x6f: {  	v9 =	vld [tilespmem:s12+$0x40]  }
0x70: {  	v8 =	vld [tilespmem:s12+$0x50];
	v13 =	vadd.f32 v7, v13  }
0x71: {  	s13 =	simm.s32 $0x200;
	v12 =	vadd.f32 v12, v14;
	v7 =	vld [tilespmem:s12+$0x60]  }
.LBB2_6:
0x72: {  	s14 =	sshra.s32 s13, $0x2;
	p1 =	sne.s32 s13, $0x9E00;
	v13 =	vmax.f32 v13, $0.0e+00;
	v6 =	vadd.f32 v6, v11;
	v11 =	vld [tilespmem:s12+$0x70]  }
0x73: {  	v14 =	vld [tilespmem:s14+$0x2800];
	[tilespmem:s12+$0x0] =	vst v13;
	v12 =	vmax.f32 v12, $0.0e+00;
	v5 =	vadd.f32 v5, v10  }
0x74: {  	v15 =	vld [tilespmem:s14+$0x2810];
	[tilespmem:s12+$0x10] =	vst v12;
	v10 =	vmax.f32 v6, $0.0e+00;
	v4 =	vadd.f32 v4, v9  }
0x75: {  	v6 =	vld [tilespmem:s14+$0x2820];
	[tilespmem:s12+$0x20] =	vst v10;
	v9 =	vmax.f32 v5, $0.0e+00;
	v3 =	vadd.f32 v3, v8  }
0x76: {  	v5 =	vld [tilespmem:s14+$0x2830];
	[tilespmem:s12+$0x30] =	vst v9;
	v8 =	vmax.f32 v4, $0.0e+00;
	v2 =	vadd.f32 v2, v7  }
0x77: {  	v4 =	vld [tilespmem:s14+$0x2840];
	[tilespmem:s12+$0x40] =	vst v8;
	v7 =	vmax.f32 v3, $0.0e+00;
	v1 =	vadd.f32 v1, v11  }
0x78: {  	v3 =	vld [tilespmem:s14+$0x2850];
	[tilespmem:s12+$0x50] =	vst v7;
	v7 =	vmax.f32 v2, $0.0e+00  }
0x79: {  	v2 =	vld [tilespmem:s14+$0x2860];
	[tilespmem:s12+$0x60] =	vst v7;
	v7 =	vmax.f32 v1, $0.0e+00  }
0x7a: {  	v1 =	vld [tilespmem:s14+$0x2870];
	[tilespmem:s12+$0x70] =	vst v7;
	s12 =	smov.u32 s14  }
0x7b: {  	v7 =	vld [tilespmem:s12+$0x0]  }
0x7c: {  	v12 =	vld [tilespmem:s12+$0x10]  }
.Ltmp1:
0x7d: {  	v11 =	vld [tilespmem:s12+$0x20];
	(pc) =	sbr.rel @p1 .LBB2_6-.Ltmp1, $4  }
0x7e: {  	v10 =	vld [tilespmem:s12+$0x30]  }
0x7f: {  	v9 =	vld [tilespmem:s12+$0x40]  }
0x80: {  	v13 =	vadd.f32 v14, v7;
	v8 =	vld [tilespmem:s12+$0x50]  }
0x81: {  	s13 =	sadd.s32 $0x200, s13;
	v12 =	vadd.f32 v15, v12;
	v7 =	vld [tilespmem:s12+$0x60]  }
0x82: {  	v13 =	vmax.f32 v13, $0.0e+00;
	v6 =	vadd.f32 v6, v11;
	v11 =	vld [tilespmem:s12+$0x70]  }
0x83: {  	[tilespmem:s12+$0x0] =	vst v13;
	v12 =	vmax.f32 v12, $0.0e+00;
	v5 =	vadd.f32 v5, v10  }
0x84: {  	[tilespmem:s12+$0x10] =	vst v12;
	v6 =	vmax.f32 v6, $0.0e+00;
	v4 =	vadd.f32 v4, v9  }
0x85: {  	[tilespmem:s12+$0x20] =	vst v6;
	v5 =	vmax.f32 v5, $0.0e+00;
	v3 =	vadd.f32 v3, v8  }
0x86: {  	[tilespmem:s12+$0x30] =	vst v5;
	v4 =	vmax.f32 v4, $0.0e+00;
	v2 =	vadd.f32 v2, v7  }
0x87: {  	[tilespmem:s12+$0x40] =	vst v4;
	v3 =	vmax.f32 v3, $0.0e+00;
	v1 =	vadd.f32 v1, v11  }
0x88: {  	[tilespmem:s12+$0x50] =	vst v3;
	v2 =	vmax.f32 v2, $0.0e+00  }
0x89: {  	[tilespmem:s12+$0x60] =	vst v2;
	v1 =	vmax.f32 v1, $0.0e+00  }
0x8a: {  	s14 =	sadd.s32 $0xA100, s11;
	s13 =	simm.s32 $0x0;
	[tilespmem:s12+$0x70] =	vst v1  }
0x8b: {  	[spmem:s1] =	stream.indirect.scatter.add.f32 [tilespmem:s13], [sflag:$0x5], $0x80, s14, s22, $0xb8;
	[tilespmem:$0x1FE00] =	vst v63  }
0x8c: {  	_ =	swait.ge [sflag:s20], $0x2800  }
0x8d: {  	[sflag:s20] =	ssyncset.done $0x0  }
0x8e: {  	s14 =	sadd.s32 $0xA300, s11;
	[sflag:s20] =	ssyncadd.s32 $0xFFFFD800  }
0x8f: {  	[tilespmem:s13], [sflag:$0x1] =	stream.indirect.gather [hbm4b:s4+s22], $0x80, s14, s22, $0xb8;
	[tilespmem:$0x1FE00] =	vst v63  }
0x90: {  	s14 =	sadd.s32 $0xA380, s11  }
0x91: {  	[tilespmem:s24], [sflag:$0x2] =	stream.indirect.gather [hbm4b:s5+s22], $0x80, s14, s22, $0xb8;
	[tilespmem:$0x1FE00] =	vst v63  }
0x92: {  	_ =	swait.ge [sflag:s30], $0x2800  }
0x93: {  	[sflag:s30] =	ssyncset.done $0x0  }
0x94: {  	[sflag:s30] =	ssyncadd.s32 $0xFFFFD800  }
0x95: {  	_ =	swait.ge [sflag:s31], $0x2800  }
0x96: {  	[sflag:s31] =	ssyncset.done $0x0  }
0x97: {  	s12 =	simm.s32 $0x0;
	[sflag:s31] =	ssyncadd.s32 $0xFFFFD800  }
0x98: {  	v7 =	vld [tilespmem:s12+$0x7800]  }
0x99: {  	v12 =	vld [tilespmem:s12+$0x7810]  }
0x9a: {  	v6 =	vld [tilespmem:s12+$0x7820]  }
0x9b: {  	v5 =	vld [tilespmem:s12+$0x7830]  }
0x9c: {  	v4 =	vld [tilespmem:s12+$0x7840]  }
0x9d: {  	v3 =	vld [tilespmem:s12+$0x7850]  }
0x9e: {  	v2 =	vld [tilespmem:s12+$0x7860]  }
0x9f: {  	v1 =	vld [tilespmem:s12+$0x7870]  }
0xa0: {  	v13 =	vld [tilespmem:s12+$0x5000]  }
0xa1: {  	v14 =	vld [tilespmem:s12+$0x5010]  }
0xa2: {  	v11 =	vld [tilespmem:s12+$0x5020]  }
0xa3: {  	v10 =	vld [tilespmem:s12+$0x5030]  }
0xa4: {  	v9 =	vld [tilespmem:s12+$0x5040]  }
0xa5: {  	v8 =	vld [tilespmem:s12+$0x5050];
	v13 =	vadd.f32 v7, v13  }
0xa6: {  	s13 =	simm.s32 $0x200;
	v12 =	vadd.f32 v12, v14;
	v7 =	vld [tilespmem:s12+$0x5060]  }
.LBB2_8:
0xa7: {  	s14 =	sshra.s32 s13, $0x2;
	p1 =	sne.s32 s13, $0x9E00;
	v13 =	vmax.f32 v13, $0.0e+00;
	v6 =	vadd.f32 v6, v11;
	v11 =	vld [tilespmem:s12+$0x5070]  }
0xa8: {  	v14 =	vld [tilespmem:s14+$0x7800];
	[tilespmem:s12+$0x5000] =	vst v13;
	v12 =	vmax.f32 v12, $0.0e+00;
	v5 =	vadd.f32 v5, v10  }
0xa9: {  	v15 =	vld [tilespmem:s14+$0x7810];
	[tilespmem:s12+$0x5010] =	vst v12;
	v10 =	vmax.f32 v6, $0.0e+00;
	v4 =	vadd.f32 v4, v9  }
0xaa: {  	v6 =	vld [tilespmem:s14+$0x7820];
	[tilespmem:s12+$0x5020] =	vst v10;
	v9 =	vmax.f32 v5, $0.0e+00;
	v3 =	vadd.f32 v3, v8  }
0xab: {  	v5 =	vld [tilespmem:s14+$0x7830];
	[tilespmem:s12+$0x5030] =	vst v9;
	v8 =	vmax.f32 v4, $0.0e+00;
	v2 =	vadd.f32 v2, v7  }
0xac: {  	v4 =	vld [tilespmem:s14+$0x7840];
	[tilespmem:s12+$0x5040] =	vst v8;
	v7 =	vmax.f32 v3, $0.0e+00;
	v1 =	vadd.f32 v1, v11  }
0xad: {  	v3 =	vld [tilespmem:s14+$0x7850];
	[tilespmem:s12+$0x5050] =	vst v7;
	v7 =	vmax.f32 v2, $0.0e+00  }
0xae: {  	v2 =	vld [tilespmem:s14+$0x7860];
	[tilespmem:s12+$0x5060] =	vst v7;
	v7 =	vmax.f32 v1, $0.0e+00  }
0xaf: {  	v1 =	vld [tilespmem:s14+$0x7870];
	[tilespmem:s12+$0x5070] =	vst v7;
	s12 =	smov.u32 s14  }
0xb0: {  	v7 =	vld [tilespmem:s12+$0x5000]  }
0xb1: {  	v12 =	vld [tilespmem:s12+$0x5010]  }
.Ltmp2:
0xb2: {  	v11 =	vld [tilespmem:s12+$0x5020];
	(pc) =	sbr.rel @p1 .LBB2_8-.Ltmp2, $4  }
0xb3: {  	v10 =	vld [tilespmem:s12+$0x5030]  }
0xb4: {  	v9 =	vld [tilespmem:s12+$0x5040]  }
0xb5: {  	v13 =	vadd.f32 v14, v7;
	v8 =	vld [tilespmem:s12+$0x5050]  }
0xb6: {  	s13 =	sadd.s32 $0x200, s13;
	v12 =	vadd.f32 v15, v12;
	v7 =	vld [tilespmem:s12+$0x5060]  }
0xb7: {  	v13 =	vmax.f32 v13, $0.0e+00;
	v6 =	vadd.f32 v6, v11;
	v63 =	vld [tilespmem:s12+$0x5070]  }
0xb8: {  	[tilespmem:s12+$0x5000] =	vst v13;
	v12 =	vmax.f32 v12, $0.0e+00;
	v5 =	vadd.f32 v5, v10  }
0xb9: {  	[tilespmem:s12+$0x5010] =	vst v12;
	v6 =	vmax.f32 v6, $0.0e+00;
	v4 =	vadd.f32 v4, v9  }
0xba: {  	[tilespmem:s12+$0x5020] =	vst v6;
	v5 =	vmax.f32 v5, $0.0e+00;
	v3 =	vadd.f32 v3, v8  }
0xbb: {  	[tilespmem:s12+$0x5030] =	vst v5;
	v4 =	vmax.f32 v4, $0.0e+00;
	v2 =	vadd.f32 v2, v7  }
0xbc: {  	[tilespmem:s12+$0x5040] =	vst v4;
	v3 =	vmax.f32 v3, $0.0e+00;
	v1 =	vadd.f32 v1, v63  }
0xbd: {  	s10 =	sadd.s32 $0x1, s10;
	[tilespmem:s12+$0x5050] =	vst v3;
	v2 =	vmax.f32 v2, $0.0e+00  }
0xbe: {  	p1 =	sne.s32 s10, $0xC;
	[tilespmem:s12+$0x5060] =	vst v2;
	v1 =	vmax.f32 v1, $0.0e+00  }
.Ltmp3:
0xbf: {  	s11 =	sadd.s32 $0xA280, s11;
	[tilespmem:s12+$0x5070] =	vst v1;
	(pc) =	sbr.rel @p1 .LBB2_5-.Ltmp3, $4  }
0xc0: {  	[spmem:s1] =	stream.indirect.scatter.add.f32 [tilespmem:s25], [sflag:$0x5], $0x80, s11, s22, $0xb8;
	[tilespmem:$0x1FE00] =	vst v63  }
0xc1: {  	_ =	swait.ge [sflag:s20], $0x2800  }
0xc2: {  	[sflag:s20] =	ssyncset.done $0x0  }
0xc3: {  	[sflag:s20] =	ssyncadd.s32 $0xFFFFD800  }
0xc4: {  	_ =	swait.ge [sflag:s28], $0x2800  }
0xc5: {  	[sflag:s28] =	ssyncset.done $0x0  }
0xc6: {  	[sflag:s28] =	ssyncadd.s32 $0xFFFFD800  }
0xc7: {  	_ =	swait.ge [sflag:s29], $0x2800  }
0xc8: {  	[sflag:s29] =	ssyncset.done $0x0  }
0xc9: {  	s10 =	simm.s32 $0x0;
	[sflag:s29] =	ssyncadd.s32 $0xFFFFD800  }
0xca: {  	v7 =	vld [tilespmem:s10+$0x2800]  }
0xcb: {  	v12 =	vld [tilespmem:s10+$0x2810]  }
0xcc: {  	v6 =	vld [tilespmem:s10+$0x2820]  }
0xcd: {  	v5 =	vld [tilespmem:s10+$0x2830]  }
0xce: {  	v4 =	vld [tilespmem:s10+$0x2840]  }
0xcf: {  	v3 =	vld [tilespmem:s10+$0x2850]  }
0xd0: {  	v2 =	vld [tilespmem:s10+$0x2860]  }
0xd1: {  	v1 =	vld [tilespmem:s10+$0x2870]  }
0xd2: {  	v13 =	vld [tilespmem:s10+$0x0]  }
0xd3: {  	v14 =	vld [tilespmem:s10+$0x10]  }
0xd4: {  	v11 =	vld [tilespmem:s10+$0x20]  }
0xd5: {  	v10 =	vld [tilespmem:s10+$0x30]  }
0xd6: {  	v9 =	vld [tilespmem:s10+$0x40]  }
0xd7: {  	v8 =	vld [tilespmem:s10+$0x50];
	v13 =	vadd.f32 v7, v13  }
0xd8: {  	s11 =	simm.s32 $0x200;
	v12 =	vadd.f32 v12, v14;
	v7 =	vld [tilespmem:s10+$0x60]  }
.LBB2_11:
0xd9: {  	s12 =	sshra.s32 s11, $0x2;
	p1 =	sne.s32 s11, $0x9E00;
	v13 =	vmax.f32 v13, $0.0e+00;
	v6 =	vadd.f32 v6, v11;
	v11 =	vld [tilespmem:s10+$0x70]  }
0xda: {  	v14 =	vld [tilespmem:s12+$0x2800];
	[tilespmem:s10+$0x0] =	vst v13;
	v12 =	vmax.f32 v12, $0.0e+00;
	v5 =	vadd.f32 v5, v10  }
0xdb: {  	v15 =	vld [tilespmem:s12+$0x2810];
	[tilespmem:s10+$0x10] =	vst v12;
	v10 =	vmax.f32 v6, $0.0e+00;
	v4 =	vadd.f32 v4, v9  }
0xdc: {  	v6 =	vld [tilespmem:s12+$0x2820];
	[tilespmem:s10+$0x20] =	vst v10;
	v9 =	vmax.f32 v5, $0.0e+00;
	v3 =	vadd.f32 v3, v8  }
0xdd: {  	v5 =	vld [tilespmem:s12+$0x2830];
	[tilespmem:s10+$0x30] =	vst v9;
	v8 =	vmax.f32 v4, $0.0e+00;
	v2 =	vadd.f32 v2, v7  }
0xde: {  	v4 =	vld [tilespmem:s12+$0x2840];
	[tilespmem:s10+$0x40] =	vst v8;
	v7 =	vmax.f32 v3, $0.0e+00;
	v1 =	vadd.f32 v1, v11  }
0xdf: {  	v3 =	vld [tilespmem:s12+$0x2850];
	[tilespmem:s10+$0x50] =	vst v7;
	v7 =	vmax.f32 v2, $0.0e+00  }
0xe0: {  	v2 =	vld [tilespmem:s12+$0x2860];
	[tilespmem:s10+$0x60] =	vst v7;
	v7 =	vmax.f32 v1, $0.0e+00  }
0xe1: {  	v1 =	vld [tilespmem:s12+$0x2870];
	[tilespmem:s10+$0x70] =	vst v7;
	s10 =	smov.u32 s12  }
0xe2: {  	v7 =	vld [tilespmem:s10+$0x0]  }
0xe3: {  	v12 =	vld [tilespmem:s10+$0x10]  }
.Ltmp4:
0xe4: {  	v11 =	vld [tilespmem:s10+$0x20];
	(pc) =	sbr.rel @p1 .LBB2_11-.Ltmp4, $4  }
0xe5: {  	v10 =	vld [tilespmem:s10+$0x30]  }
0xe6: {  	v9 =	vld [tilespmem:s10+$0x40]  }
0xe7: {  	v13 =	vadd.f32 v14, v7;
	v8 =	vld [tilespmem:s10+$0x50]  }
0xe8: {  	s11 =	sadd.s32 $0x200, s11;
	v12 =	vadd.f32 v15, v12;
	v7 =	vld [tilespmem:s10+$0x60]  }
0xe9: {  	v13 =	vmax.f32 v13, $0.0e+00;
	v6 =	vadd.f32 v6, v11;
	v63 =	vld [tilespmem:s10+$0x70]  }
0xea: {  	[tilespmem:s10+$0x0] =	vst v13;
	v12 =	vmax.f32 v12, $0.0e+00;
	v5 =	vadd.f32 v5, v10  }
0xeb: {  	[tilespmem:s10+$0x10] =	vst v12;
	v6 =	vmax.f32 v6, $0.0e+00;
	v4 =	vadd.f32 v4, v9  }
0xec: {  	[tilespmem:s10+$0x20] =	vst v6;
	v5 =	vmax.f32 v5, $0.0e+00;
	v3 =	vadd.f32 v3, v8  }
0xed: {  	[tilespmem:s10+$0x30] =	vst v5;
	v4 =	vmax.f32 v4, $0.0e+00;
	v2 =	vadd.f32 v2, v7  }
0xee: {  	[tilespmem:s10+$0x40] =	vst v4;
	v3 =	vmax.f32 v3, $0.0e+00;
	v1 =	vadd.f32 v1, v63  }
0xef: {  	s9 =	sadd.s32 $0x1, s9;
	[tilespmem:s10+$0x50] =	vst v3;
	v2 =	vmax.f32 v2, $0.0e+00  }
0xf0: {  	p1 =	sne.s32 s9, $0x5;
	[tilespmem:s10+$0x60] =	vst v2;
	v1 =	vmax.f32 v1, $0.0e+00  }
.Ltmp5:
0xf1: {  	[tilespmem:s10+$0x70] =	vst v1;
	(pc) =	sbr.rel @p1 .LBB2_4-.Ltmp5, $4  }
0xf2: {  	[spmem:s1] =	stream.indirect.scatter.add.f32 [tilespmem:s3], [sflag:$0x5], $0x80, s0, s22, $0xb8;
	[tilespmem:$0x1FE00] =	vst v63  }
0xf3: {  	_ =	swait.ge [sflag:s20], $0x2800  }
0xf4: {  	[sflag:s20] =	ssyncset.done $0x0  }
0xf5: {  	[sflag:s20] =	ssyncadd.s32 $0xFFFFD800  }
0xf6: {  	s8 =	stileid.u32  }
0xf7: {  	s8 =	sshll.u32 s8, $0x6  }
0xf8: {  	[bflag:$0x0] =	sbarrier.arrive $0xFFFF;
	s9 =	sshrl.u32 s7, $0x3;
	s8 =	sor.u32 $0x1C05, s8  }
0xf9: {  	[hbm:s17], [sflag:s8] =	dma.local [spmem:s9], $0x2700  }
0xfa: {  	_ =	swait.ge [sflag:s20], $0x2700  }
0xfb: {  	s2 =	sadd.s32 $0x1, s2;
	[sflag:s20] =	ssyncset.done $0x0  }
0xfc: {  	p1 =	sne.s32 s2, s19;
	s9 =	sshrl.u32 @!p0 s15, $0x3;
	[sflag:s20] =	ssyncadd.s32 $0xFFFFD900  }
0xfd: {  	[hbm:s18], [sflag:s8] =	dma.local @!p0 [spmem:s9], $0x100  }
.Ltmp6:
0xfe: {  	_ = 	snop;
	(pc) =	sbr.rel @p1 .LBB2_1-.Ltmp6, $4  }
0xff: {  	s8 =	simm.s32 @!p0 $0x5  }
0x100: {  	_ =	swait.ge @!p0 [sflag:s8], $0x100  }
0x101: {  	[sflag:s8] =	ssyncset.done @!p0 $0x0  }
0x102: {  	[sflag:s8] =	ssyncadd.s32 @!p0 $0xFFFFFF00  }
0x103: {  	_ =	sfence.sel $0x180000  }
0x104: {  	[bflag:$0x0] =	sbarrier.arrive $0xFFFF  }
0x105: {  	_ =	strace $0x90000047  }
0x106: {  	s0 =	stileid.u32;
	[bflag:$0x2] =	sbarrier.arrive $0xFFFF  }
0x107: {  	p0 =	sne.s32 s0, $0x0;
	s0 =	rddreg [dreg:$0x2]  }
0x108: {  	s0 =	sadd.s32 @!p0 $0x100000, s0  }
0x109: {  	[sflag:s0] =	ssyncadd.tile.s32 @!p0 $0x1;
	_ =	shalt  }
.Lfunc_end2:
_tile_overlayer_lowered:
.L_overlay_start_2:
0x10a: {  	(tag) =	ssettag $0x2  }
0x10b: {  	s0 =	rddreg [dreg:$0x0];
	s2 =	stileid.u32  }
0x10c: {  	s1 =	rddreg [dreg:$0x1];
	p0 =	sne.s32 s2, $0x0  }
0x10d: {  	s3 =	rddreg [dreg:$0x2];
	[bflag:$0x3] =	sbarrier.arrive $0xFFFF;
	s2 =	simm.s32 @!p0 $0x1C05  }
0x10e: {  	[timem:s3], [sflag:s2] =	dma.local @!p0 [hbm:s0], s1  }
0x10f: {  	s0 =	simm.s32 @!p0 $0x5  }
0x110: {  	_ =	swait.ge @!p0 [sflag:s0], s1  }
0x111: {  	s1 =	ssub.s32 @!p0 $0x0, s1;
	[sflag:s0] =	ssyncset.done @!p0 $0x0  }
0x112: {  	[sflag:s0] =	ssyncadd.s32 @!p0 s1  }
0x113: {  	[bflag:$0x3] =	sbarrier.arrive $0xFFFF  }
0x114: {  	_ =	shalt  }

</sc_bundles>
